<compile_context>
chip_gen: v7x
topology: tpu7x:2x2x1
jax: 0.10.2.dev20260603
libtpu: 0.0.44.dev20260713+nightly
codegen_flags: <defaults>
</compile_context>

<pallas_src>
import functools

import jax
import jax.numpy as jnp
from jax import lax
import jax.experimental.pallas as pl
from jax.experimental.pallas import tpu as pltpu
from jax.experimental.pallas import tpu_sc as plsc

_LANES = 16
_LO_BITS = 12
_HI_BITS = 11
_NLO = 1 << _LO_BITS
_NHI = 1 << _HI_BITS
_SCALE = float(1 << (_LO_BITS + _HI_BITS))
_IDX_BITS = 15


def _row_body(nbuf, buf1, rankb, keepb, hla, hlb, hha, hhb, t, n_keep):
    t2 = t // 2
    nv2 = t2 // _LANES
    lanes = lax.iota(jnp.int32, _LANES)
    zeros_i = jnp.zeros((_LANES,), jnp.int32)
    ones_f = jnp.full((_LANES,), 1.0, jnp.float32)
    zeros_f = jnp.zeros((_LANES,), jnp.float32)

    @plsc.parallel_loop(0, _NLO // _LANES, unroll=8)
    def zero_lo(i):
        hla[pl.ds(i * _LANES, _LANES)] = zeros_i
        hlb[pl.ds(i * _LANES, _LANES)] = zeros_i

    @plsc.parallel_loop(0, _NHI // _LANES, unroll=8)
    def zero_hi(i):
        hha[pl.ds(i * _LANES, _LANES)] = zeros_i
        hhb[pl.ds(i * _LANES, _LANES)] = zeros_i

    def hist_body(i, c):
        va = nbuf[pl.ds(i * _LANES, _LANES)]
        vb = nbuf[pl.ds(t2 + i * _LANES, _LANES)]
        loa = jnp.bitwise_and((va * _SCALE).astype(jnp.int32), _NLO - 1)
        lob = jnp.bitwise_and((vb * _SCALE).astype(jnp.int32), _NLO - 1)
        ca, ma = plsc.scan_count(loa)
        plsc.addupdate_scatter(hla, [loa], ca, mask=ma)
        cb, mb = plsc.scan_count(lob)
        plsc.addupdate_scatter(hlb, [lob], cb, mask=mb)
        return c

    lax.fori_loop(0, nv2, hist_body, 0, unroll=4)

    def scan_body(ha, hb, i, carry):
        xa = ha[pl.ds(i * _LANES, _LANES)]
        xb = hb[pl.ds(i * _LANES, _LANES)]
        s = xa + xb
        inc = plsc.cumsum(s)
        start = inc - s + carry
        ha[pl.ds(i * _LANES, _LANES)] = start
        hb[pl.ds(i * _LANES, _LANES)] = start + xa
        return carry + jnp.sum(s)

    lax.fori_loop(0, _NLO // _LANES, functools.partial(scan_body, hla, hlb),
                  jnp.int32(0))

    def pass1_half(v, lo, hi, idxv, hl):
        cnt, ml = plsc.scan_count(lo)
        base = plsc.load_gather(hl, [lo])
        pos = base + cnt - 1
        packed = jnp.bitwise_or(jnp.left_shift(hi, _IDX_BITS), idxv)
        plsc.store_scatter(buf1, [pos], packed)
        plsc.store_scatter(hl, [lo], pos + 1, mask=ml)

    def pass1_body(i, c):
        va = nbuf[pl.ds(i * _LANES, _LANES)]
        vb = nbuf[pl.ds(t2 + i * _LANES, _LANES)]
        ika = (va * _SCALE).astype(jnp.int32)
        ikb = (vb * _SCALE).astype(jnp.int32)
        pass1_half(va, jnp.bitwise_and(ika, _NLO - 1),
                   jnp.right_shift(ika, _LO_BITS), lanes + i * _LANES, hla)
        pass1_half(vb, jnp.bitwise_and(ikb, _NLO - 1),
                   jnp.right_shift(ikb, _LO_BITS), lanes + t2 + i * _LANES,
                   hlb)
        return c

    lax.fori_loop(0, nv2, pass1_body, 0, unroll=8)

    def hist_hi_body(i, c):
        pa = buf1[pl.ds(i * _LANES, _LANES)]
        pb = buf1[pl.ds(t2 + i * _LANES, _LANES)]
        hia = jnp.right_shift(pa, _IDX_BITS)
        hib = jnp.right_shift(pb, _IDX_BITS)
        ca, ma = plsc.scan_count(hia)
        plsc.addupdate_scatter(hha, [hia], ca, mask=ma)
        cb, mb = plsc.scan_count(hib)
        plsc.addupdate_scatter(hhb, [hib], cb, mask=mb)
        return c

    lax.fori_loop(0, nv2, hist_hi_body, 0, unroll=4)

    lax.fori_loop(0, _NHI // _LANES, functools.partial(scan_body, hha, hhb),
                  jnp.int32(0))

    def pass2_half(p, hh):
        hi = jnp.right_shift(p, _IDX_BITS)
        idxv = jnp.bitwise_and(p, (1 << _IDX_BITS) - 1)
        cnt, mh = plsc.scan_count(hi)
        base = plsc.load_gather(hh, [hi])
        rank = base + cnt - 1
        plsc.store_scatter(rankb, [idxv], rank)
        plsc.store_scatter(keepb, [rank], idxv, mask=rank < n_keep)
        plsc.store_scatter(nbuf, [idxv],
                           jnp.where(rank >= n_keep, ones_f, zeros_f))
        plsc.store_scatter(hh, [hi], rank + 1, mask=mh)

    def pass2_body(i, c):
        pass2_half(buf1[pl.ds(i * _LANES, _LANES)], hha)
        pass2_half(buf1[pl.ds(t2 + i * _LANES, _LANES)], hhb)
        return c

    lax.fori_loop(0, nv2, pass2_body, 0, unroll=8)


def _make_sc_kernel(b, t):
    n_keep = t // 2
    rows_per_w = b // 32
    mesh = plsc.VectorSubcoreMesh(core_axis_name="c", subcore_axis_name="s")

    @functools.partial(
        pl.kernel,
        out_type=(
            jax.ShapeDtypeStruct((b, n_keep), jnp.int32),
            jax.ShapeDtypeStruct((b, t), jnp.int32),
            jax.ShapeDtypeStruct((b, t), jnp.float32),
        ),
        mesh=mesh,
        scratch_types=[
            pltpu.VMEM((t,), jnp.float32),
            pltpu.VMEM((t,), jnp.int32),
            pltpu.VMEM((t,), jnp.int32),
            pltpu.VMEM((n_keep,), jnp.int32),
            pltpu.VMEM((_NLO,), jnp.int32),
            pltpu.VMEM((_NLO,), jnp.int32),
            pltpu.VMEM((_NHI,), jnp.int32),
            pltpu.VMEM((_NHI,), jnp.int32),
        ],
        compiler_params=pltpu.CompilerParams(needs_layout_passes=False),
    )
    def sc_kernel(noise_hbm, keep_o, restore_o, mask_o,
                  nbuf, buf1, rankb, keepb, hla, hlb, hha, hhb):
        wid = lax.axis_index("s") * 2 + lax.axis_index("c")

        def do_row(r, c):
            row = wid * rows_per_w + r
            pltpu.sync_copy(noise_hbm.at[row], nbuf)
            _row_body(nbuf, buf1, rankb, keepb, hla, hlb, hha, hhb, t,
                      n_keep)
            pltpu.sync_copy(rankb, restore_o.at[row])
            pltpu.sync_copy(keepb, keep_o.at[row])
            pltpu.sync_copy(nbuf, mask_o.at[row])
            return c

        lax.fori_loop(0, rows_per_w, do_row, 0)

    return sc_kernel


def kernel(B, T, noise):
    b, t = noise.shape
    return _make_sc_kernel(b, t)(noise)

# --- scband reference (transcript-rebuilt; emitter-appended) ---
"""Pipeline reference for scband-random-patch-mask-41790031790107 (READ-ONLY COPY).

The authoritative reference and input builder live on the scoring server;
editing this copy changes nothing except your own understanding.
"""

import jax, jax.numpy as jnp
import numpy as np

MASK_RATIO = 0.5

def setup_inputs(seed: int = 0) -> dict:
    key = jax.random.key(seed)
    B, T = 64, 32768
    # The torch module draws noise internally via torch.rand(B, T); we
    # materialize the equivalent uniform noise here so the computation is
    # deterministic and faithful.
    noise = jax.random.uniform(key, (B, T), dtype=jnp.float32)
    return {"B": B, "T": T, "noise": noise}

def reference(B, T, noise):
    B_s, T_s = noise.shape
    n_keep = int(T_s * (1.0 - MASK_RATIO))
    ids_shuffle = jnp.argsort(noise, axis=1)
    ids_restore = jnp.argsort(ids_shuffle, axis=1)
    ids_keep = ids_shuffle[:, :n_keep]
    mask = jnp.ones((B_s, T_s), dtype=jnp.float32)
    mask = mask.at[:, :n_keep].set(0.0)
    mask = jnp.take_along_axis(mask, ids_restore, axis=1)
    zero = (jnp.asarray(B - B_s, dtype=jnp.float32)
            + jnp.asarray(T - T_s, dtype=jnp.float32)) * 0.0
    mask = mask + zero
    return (ids_keep, ids_restore, mask)

if __name__ == "__main__":
    import jax
    _d = setup_inputs()
    print(jax.jit(kernel)(*tuple(_d.values())))

</pallas_src>

<mosaic_0001>
#map = affine_map<(d0, d1) -> (0, 0)>
module attributes {stable_mosaic.version = 14 : i64} {
  func.func @sc_kernel(%arg0: i32, %arg1: i32, %arg2: memref<64x32768xf32, #tpu.memory_space<hbm>>, %arg3: memref<64x16384xi32, #tpu.memory_space<hbm>>, %arg4: memref<64x32768xi32, #tpu.memory_space<hbm>>, %arg5: memref<64x32768xf32, #tpu.memory_space<hbm>>, %arg6: memref<32768xf32, #tpu.memory_space<vmem>>, %arg7: memref<32768xi32, #tpu.memory_space<vmem>>, %arg8: memref<32768xi32, #tpu.memory_space<vmem>>, %arg9: memref<16384xi32, #tpu.memory_space<vmem>>, %arg10: memref<4096xi32, #tpu.memory_space<vmem>>, %arg11: memref<4096xi32, #tpu.memory_space<vmem>>, %arg12: memref<2048xi32, #tpu.memory_space<vmem>>, %arg13: memref<2048xi32, #tpu.memory_space<vmem>>) attributes {dimension_semantics = [#tpu.dimension_semantics<core_parallel>, #tpu.dimension_semantics<subcore_parallel>], iteration_bounds = array<i64: 2, 16>, scalar_prefetch = 0 : i64, scratch_operands = 8 : i64, tpu.core_type = #tpu.core_type<sc_vector_subcore>, window_params = [{transform_indices = #map}, {transform_indices = #map}, {transform_indices = #map}, {transform_indices = #map}]} {
    %mul3A = arith.constant 2 : i32
    %mul3A_0 = arith.muli %arg1, %mul3A : i32
    %add3A = arith.addi %mul3A_0, %arg0 : i32
    %scan3A = arith.constant 0 : i32
    %scan3A_1 = arith.constant 0 : i32
    %scan3A_2 = arith.constant 2 : i32
    %scan3A_3 = arith.addi %scan3A_1, %scan3A_2 : i32
    %scan3A_4 = arith.constant 1 : i32
    scf.for %scan3A_6 = %scan3A_1 to %scan3A_3 step %scan3A_4  : i32 {
      %mul3A_7 = arith.constant 2 : i32
      %mul3A_8 = arith.muli %add3A, %mul3A_7 : i32
      %add3A_9 = arith.addi %mul3A_8, %scan3A_6 : i32
      "tpu.region"() ({
        %run_scoped3A = tpu.sem_alloc : memref<!tpu.dma_semaphore, #tpu.memory_space<semaphore_mem>>
        %dma_start3A = arith.constant 0 : i32
        %dma_start3A_58 = tpu.memref_slice %arg2[%add3A_9, %dma_start3A] : memref<64x32768xf32, #tpu.memory_space<hbm>> -> memref<1x32768xf32, #tpu.memory_space<hbm>>
        %dma_start3A_59 = tpu.memref_squeeze %dma_start3A_58 : memref<1x32768xf32, #tpu.memory_space<hbm>> -> memref<32768xf32, #tpu.memory_space<hbm>>
        %dma_start3A_60 = arith.constant 0 : i32
        %dma_start3A_61 = tpu.memref_slice %arg2[%add3A_9, %dma_start3A_60] : memref<64x32768xf32, #tpu.memory_space<hbm>> -> memref<1x32768xf32, #tpu.memory_space<hbm>>
        %dma_start3A_62 = tpu.memref_squeeze %dma_start3A_61 : memref<1x32768xf32, #tpu.memory_space<hbm>> -> memref<32768xf32, #tpu.memory_space<hbm>>
        tpu.enqueue_dma source(%dma_start3A_62 : memref<32768xf32, #tpu.memory_space<hbm>>) target(%arg6 : memref<32768xf32, #tpu.memory_space<vmem>>) target_semaphore(%run_scoped3A : memref<!tpu.dma_semaphore, #tpu.memory_space<semaphore_mem>>)
        %dma_wait3A = arith.constant 0 : i32
        %dma_wait3A_63 = tpu.memref_slice %arg2[%add3A_9, %dma_wait3A] : memref<64x32768xf32, #tpu.memory_space<hbm>> -> memref<1x32768xf32, #tpu.memory_space<hbm>>
        %dma_wait3A_64 = tpu.memref_squeeze %dma_wait3A_63 : memref<1x32768xf32, #tpu.memory_space<hbm>> -> memref<32768xf32, #tpu.memory_space<hbm>>
        %dma_wait3A_65 = arith.constant 0 : i32
        %dma_wait3A_66 = tpu.memref_slice %arg2[%add3A_9, %dma_wait3A_65] : memref<64x32768xf32, #tpu.memory_space<hbm>> -> memref<1x32768xf32, #tpu.memory_space<hbm>>
        %dma_wait3A_67 = tpu.memref_squeeze %dma_wait3A_66 : memref<1x32768xf32, #tpu.memory_space<hbm>> -> memref<32768xf32, #tpu.memory_space<hbm>>
        tpu.wait_dma2 semaphore(%run_scoped3A : memref<!tpu.dma_semaphore, #tpu.memory_space<semaphore_mem>>) src(%dma_wait3A_67 : memref<32768xf32, #tpu.memory_space<hbm>>) dst(%arg6 : memref<32768xf32, #tpu.memory_space<vmem>>)
        tpu.yield
      }) : () -> ()
      %iota3A = tpu.iota {dimensions = array<i32: 0>} : vector<16xi32>
      %broadcast_in_dim3A = arith.constant 0 : i32
      %broadcast_in_dim3A_10 = vector.broadcast %broadcast_in_dim3A : i32 to vector<16xi32>
      %broadcast_in_dim3A_11 = arith.constant 1.000000e+00 : f32
      %broadcast_in_dim3A_12 = vector.broadcast %broadcast_in_dim3A_11 : f32 to vector<16xf32>
      %broadcast_in_dim3A_13 = arith.constant 0.000000e+00 : f32
      %broadcast_in_dim3A_14 = vector.broadcast %broadcast_in_dim3A_13 : f32 to vector<16xf32>
      %parallel_loop3A = arith.constant 0 : i32
      %parallel_loop3A_15 = arith.constant 256 : i32
      %parallel_loop3A_16 = arith.constant 1 : i32
      scf.for %parallel_loop3A_58 = %parallel_loop3A to %parallel_loop3A_15 step %parallel_loop3A_16  : i32 {
        %parallel_loop3A_59 = arith.constant 16 : i32
        %parallel_loop3A_60 = arith.muli %parallel_loop3A_58, %parallel_loop3A_59 : i32
        %parallel_loop3A_61 = arith.index_cast %parallel_loop3A_60 : i32 to index
        %parallel_loop3A_62 = tpu.vector_load %arg10[%parallel_loop3A_61] {strides = array<i32>} : memref<4096xi32, #tpu.memory_space<vmem>>, vector<16xi32>,
        tpu.vector_store %arg10[%parallel_loop3A_61], %broadcast_in_dim3A_10 {strides = array<i32>} : memref<4096xi32, #tpu.memory_space<vmem>>, vector<16xi32>,
        %parallel_loop3A_63 = arith.constant 16 : i32
        %parallel_loop3A_64 = arith.muli %parallel_loop3A_58, %parallel_loop3A_63 : i32
        %parallel_loop3A_65 = arith.index_cast %parallel_loop3A_64 : i32 to index
        %parallel_loop3A_66 = tpu.vector_load %arg11[%parallel_loop3A_65] {strides = array<i32>} : memref<4096xi32, #tpu.memory_space<vmem>>, vector<16xi32>,
        tpu.vector_store %arg11[%parallel_loop3A_65], %broadcast_in_dim3A_10 {strides = array<i32>} : memref<4096xi32, #tpu.memory_space<vmem>>, vector<16xi32>,
      } {sc.loop_unroll_factor = 8 : i64, sc.parallel_access}
      %parallel_loop3A_17 = arith.constant 0 : i32
      %parallel_loop3A_18 = arith.constant 128 : i32
      %parallel_loop3A_19 = arith.constant 1 : i32
      scf.for %parallel_loop3A_58 = %parallel_loop3A_17 to %parallel_loop3A_18 step %parallel_loop3A_19  : i32 {
        %parallel_loop3A_59 = arith.constant 16 : i32
        %parallel_loop3A_60 = arith.muli %parallel_loop3A_58, %parallel_loop3A_59 : i32
        %parallel_loop3A_61 = arith.index_cast %parallel_loop3A_60 : i32 to index
        %parallel_loop3A_62 = tpu.vector_load %arg12[%parallel_loop3A_61] {strides = array<i32>} : memref<2048xi32, #tpu.memory_space<vmem>>, vector<16xi32>,
        tpu.vector_store %arg12[%parallel_loop3A_61], %broadcast_in_dim3A_10 {strides = array<i32>} : memref<2048xi32, #tpu.memory_space<vmem>>, vector<16xi32>,
        %parallel_loop3A_63 = arith.constant 16 : i32
        %parallel_loop3A_64 = arith.muli %parallel_loop3A_58, %parallel_loop3A_63 : i32
        %parallel_loop3A_65 = arith.index_cast %parallel_loop3A_64 : i32 to index
        %parallel_loop3A_66 = tpu.vector_load %arg13[%parallel_loop3A_65] {strides = array<i32>} : memref<2048xi32, #tpu.memory_space<vmem>>, vector<16xi32>,
        tpu.vector_store %arg13[%parallel_loop3A_65], %broadcast_in_dim3A_10 {strides = array<i32>} : memref<2048xi32, #tpu.memory_space<vmem>>, vector<16xi32>,
      } {sc.loop_unroll_factor = 8 : i64, sc.parallel_access}
      %scan3A_20 = arith.constant 0 : i32
      %scan3A_21 = arith.constant 0 : i32
      %scan3A_22 = arith.constant 1024 : i32
      %scan3A_23 = arith.addi %scan3A_21, %scan3A_22 : i32
      %scan3A_24 = arith.constant 4 : i32
      scf.for %scan3A_58 = %scan3A_21 to %scan3A_23 step %scan3A_24  : i32 {
        %mul3A_59 = arith.constant 16 : i32
        %mul3A_60 = arith.muli %scan3A_58, %mul3A_59 : i32
        %get3A = arith.index_cast %mul3A_60 : i32 to index
        %get3A_61 = tpu.vector_load %arg6[%get3A] {strides = array<i32>} : memref<32768xf32, #tpu.memory_space<vmem>>, vector<16xf32>,
        %mul3A_62 = arith.constant 16 : i32
        %mul3A_63 = arith.muli %scan3A_58, %mul3A_62 : i32
        %add3A_64 = arith.constant 16384 : i32
        %add3A_65 = arith.addi %add3A_64, %mul3A_63 : i32
        %get3A_66 = arith.index_cast %add3A_65 : i32 to index
        %get3A_67 = tpu.vector_load %arg6[%get3A_66] {strides = array<i32>} : memref<32768xf32, #tpu.memory_space<vmem>>, vector<16xf32>,
        %mul3A_68 = arith.constant 0x4B000000 : f32
        %mul3A_69 = vector.broadcast %mul3A_68 : f32 to vector<16xf32>
        %mul3A_70 = arith.mulf %get3A_61, %mul3A_69 : vector<16xf32>
        %convert_element_type3A = arith.fptosi %mul3A_70 : vector<16xf32> to vector<16xi32>
        %and3A = arith.constant 4095 : i32
        %and3A_71 = vector.broadcast %and3A : i32 to vector<16xi32>
        %and3A_72 = arith.andi %convert_element_type3A, %and3A_71 : vector<16xi32>
        %mul3A_73 = arith.constant 0x4B000000 : f32
        %mul3A_74 = vector.broadcast %mul3A_73 : f32 to vector<16xf32>
        %mul3A_75 = arith.mulf %get3A_67, %mul3A_74 : vector<16xf32>
        %convert_element_type3A_76 = arith.fptosi %mul3A_75 : vector<16xf32> to vector<16xi32>
        %and3A_77 = arith.constant 4095 : i32
        %and3A_78 = vector.broadcast %and3A_77 : i32 to vector<16xi32>
        %and3A_79 = arith.andi %convert_element_type3A_76, %and3A_78 : vector<16xi32>
        %broadcast_in_dim3A_80 = arith.constant true
        %broadcast_in_dim3A_81 = vector.broadcast %broadcast_in_dim3A_80 : i1 to vector<16xi1>
        %unique3A, %unique3A_82 = tpu.scan_count mask(%broadcast_in_dim3A_81 : vector<16xi1>) value(%and3A_72 : vector<16xi32>) : vector<16xi1>, vector<16xi32>
        tpu.vector_store_idx %arg10[%and3A_72], %unique3A_82 masked %unique3A {add = true} : memref<4096xi32, #tpu.memory_space<vmem>>[vector<16xi32>], vector<16xi32>, vector<16xi1>
        %broadcast_in_dim3A_83 = arith.constant true
        %broadcast_in_dim3A_84 = vector.broadcast %broadcast_in_dim3A_83 : i1 to vector<16xi1>
        %unique3A_85, %unique3A_86 = tpu.scan_count mask(%broadcast_in_dim3A_84 : vector<16xi1>) value(%and3A_79 : vector<16xi32>) : vector<16xi1>, vector<16xi32>
        tpu.vector_store_idx %arg11[%and3A_79], %unique3A_86 masked %unique3A_85 {add = true} : memref<4096xi32, #tpu.memory_space<vmem>>[vector<16xi32>], vector<16xi32>, vector<16xi1>
        %scan3A_87 = arith.constant 1 : i32
        %scan3A_88 = arith.addi %scan3A_58, %scan3A_87 : i32
        %mul3A_89 = arith.constant 16 : i32
        %mul3A_90 = arith.muli %scan3A_88, %mul3A_89 : i32
        %get3A_91 = arith.index_cast %mul3A_90 : i32 to index
        %get3A_92 = tpu.vector_load %arg6[%get3A_91] {strides = array<i32>} : memref<32768xf32, #tpu.memory_space<vmem>>, vector<16xf32>,
        %mul3A_93 = arith.constant 16 : i32
        %mul3A_94 = arith.muli %scan3A_88, %mul3A_93 : i32
        %add3A_95 = arith.constant 16384 : i32
        %add3A_96 = arith.addi %add3A_95, %mul3A_94 : i32
        %get3A_97 = arith.index_cast %add3A_96 : i32 to index
        %get3A_98 = tpu.vector_load %arg6[%get3A_97] {strides = array<i32>} : memref<32768xf32, #tpu.memory_space<vmem>>, vector<16xf32>,
        %mul3A_99 = arith.constant 0x4B000000 : f32
        %mul3A_100 = vector.broadcast %mul3A_99 : f32 to vector<16xf32>
        %mul3A_101 = arith.mulf %get3A_92, %mul3A_100 : vector<16xf32>
        %convert_element_type3A_102 = arith.fptosi %mul3A_101 : vector<16xf32> to vector<16xi32>
        %and3A_103 = arith.constant 4095 : i32
        %and3A_104 = vector.broadcast %and3A_103 : i32 to vector<16xi32>
        %and3A_105 = arith.andi %convert_element_type3A_102, %and3A_104 : vector<16xi32>
        %mul3A_106 = arith.constant 0x4B000000 : f32
        %mul3A_107 = vector.broadcast %mul3A_106 : f32 to vector<16xf32>
        %mul3A_108 = arith.mulf %get3A_98, %mul3A_107 : vector<16xf32>
        %convert_element_type3A_109 = arith.fptosi %mul3A_108 : vector<16xf32> to vector<16xi32>
        %and3A_110 = arith.constant 4095 : i32
        %and3A_111 = vector.broadcast %and3A_110 : i32 to vector<16xi32>
        %and3A_112 = arith.andi %convert_element_type3A_109, %and3A_111 : vector<16xi32>
        %broadcast_in_dim3A_113 = arith.constant true
        %broadcast_in_dim3A_114 = vector.broadcast %broadcast_in_dim3A_113 : i1 to vector<16xi1>
        %unique3A_115, %unique3A_116 = tpu.scan_count mask(%broadcast_in_dim3A_114 : vector<16xi1>) value(%and3A_105 : vector<16xi32>) : vector<16xi1>, vector<16xi32>
        tpu.vector_store_idx %arg10[%and3A_105], %unique3A_116 masked %unique3A_115 {add = true} : memref<4096xi32, #tpu.memory_space<vmem>>[vector<16xi32>], vector<16xi32>, vector<16xi1>
        %broadcast_in_dim3A_117 = arith.constant true
        %broadcast_in_dim3A_118 = vector.broadcast %broadcast_in_dim3A_117 : i1 to vector<16xi1>
        %unique3A_119, %unique3A_120 = tpu.scan_count mask(%broadcast_in_dim3A_118 : vector<16xi1>) value(%and3A_112 : vector<16xi32>) : vector<16xi1>, vector<16xi32>
        tpu.vector_store_idx %arg11[%and3A_112], %unique3A_120 masked %unique3A_119 {add = true} : memref<4096xi32, #tpu.memory_space<vmem>>[vector<16xi32>], vector<16xi32>, vector<16xi1>
        %scan3A_121 = arith.constant 2 : i32
        %scan3A_122 = arith.addi %scan3A_58, %scan3A_121 : i32
        %mul3A_123 = arith.constant 16 : i32
        %mul3A_124 = arith.muli %scan3A_122, %mul3A_123 : i32
        %get3A_125 = arith.index_cast %mul3A_124 : i32 to index
        %get3A_126 = tpu.vector_load %arg6[%get3A_125] {strides = array<i32>} : memref<32768xf32, #tpu.memory_space<vmem>>, vector<16xf32>,
        %mul3A_127 = arith.constant 16 : i32
        %mul3A_128 = arith.muli %scan3A_122, %mul3A_127 : i32
        %add3A_129 = arith.constant 16384 : i32
        %add3A_130 = arith.addi %add3A_129, %mul3A_128 : i32
        %get3A_131 = arith.index_cast %add3A_130 : i32 to index
        %get3A_132 = tpu.vector_load %arg6[%get3A_131] {strides = array<i32>} : memref<32768xf32, #tpu.memory_space<vmem>>, vector<16xf32>,
        %mul3A_133 = arith.constant 0x4B000000 : f32
        %mul3A_134 = vector.broadcast %mul3A_133 : f32 to vector<16xf32>
        %mul3A_135 = arith.mulf %get3A_126, %mul3A_134 : vector<16xf32>
        %convert_element_type3A_136 = arith.fptosi %mul3A_135 : vector<16xf32> to vector<16xi32>
        %and3A_137 = arith.constant 4095 : i32
        %and3A_138 = vector.broadcast %and3A_137 : i32 to vector<16xi32>
        %and3A_139 = arith.andi %convert_element_type3A_136, %and3A_138 : vector<16xi32>
        %mul3A_140 = arith.constant 0x4B000000 : f32
        %mul3A_141 = vector.broadcast %mul3A_140 : f32 to vector<16xf32>
        %mul3A_142 = arith.mulf %get3A_132, %mul3A_141 : vector<16xf32>
        %convert_element_type3A_143 = arith.fptosi %mul3A_142 : vector<16xf32> to vector<16xi32>
        %and3A_144 = arith.constant 4095 : i32
        %and3A_145 = vector.broadcast %and3A_144 : i32 to vector<16xi32>
        %and3A_146 = arith.andi %convert_element_type3A_143, %and3A_145 : vector<16xi32>
        %broadcast_in_dim3A_147 = arith.constant true
        %broadcast_in_dim3A_148 = vector.broadcast %broadcast_in_dim3A_147 : i1 to vector<16xi1>
        %unique3A_149, %unique3A_150 = tpu.scan_count mask(%broadcast_in_dim3A_148 : vector<16xi1>) value(%and3A_139 : vector<16xi32>) : vector<16xi1>, vector<16xi32>
        tpu.vector_store_idx %arg10[%and3A_139], %unique3A_150 masked %unique3A_149 {add = true} : memref<4096xi32, #tpu.memory_space<vmem>>[vector<16xi32>], vector<16xi32>, vector<16xi1>
        %broadcast_in_dim3A_151 = arith.constant true
        %broadcast_in_dim3A_152 = vector.broadcast %broadcast_in_dim3A_151 : i1 to vector<16xi1>
        %unique3A_153, %unique3A_154 = tpu.scan_count mask(%broadcast_in_dim3A_152 : vector<16xi1>) value(%and3A_146 : vector<16xi32>) : vector<16xi1>, vector<16xi32>
        tpu.vector_store_idx %arg11[%and3A_146], %unique3A_154 masked %unique3A_153 {add = true} : memref<4096xi32, #tpu.memory_space<vmem>>[vector<16xi32>], vector<16xi32>, vector<16xi1>
        %scan3A_155 = arith.constant 3 : i32
        %scan3A_156 = arith.addi %scan3A_58, %scan3A_155 : i32
        %mul3A_157 = arith.constant 16 : i32
        %mul3A_158 = arith.muli %scan3A_156, %mul3A_157 : i32
        %get3A_159 = arith.index_cast %mul3A_158 : i32 to index
        %get3A_160 = tpu.vector_load %arg6[%get3A_159] {strides = array<i32>} : memref<32768xf32, #tpu.memory_space<vmem>>, vector<16xf32>,
        %mul3A_161 = arith.constant 16 : i32
        %mul3A_162 = arith.muli %scan3A_156, %mul3A_161 : i32
        %add3A_163 = arith.constant 16384 : i32
        %add3A_164 = arith.addi %add3A_163, %mul3A_162 : i32
        %get3A_165 = arith.index_cast %add3A_164 : i32 to index
        %get3A_166 = tpu.vector_load %arg6[%get3A_165] {strides = array<i32>} : memref<32768xf32, #tpu.memory_space<vmem>>, vector<16xf32>,
        %mul3A_167 = arith.constant 0x4B000000 : f32
        %mul3A_168 = vector.broadcast %mul3A_167 : f32 to vector<16xf32>
        %mul3A_169 = arith.mulf %get3A_160, %mul3A_168 : vector<16xf32>
        %convert_element_type3A_170 = arith.fptosi %mul3A_169 : vector<16xf32> to vector<16xi32>
        %and3A_171 = arith.constant 4095 : i32
        %and3A_172 = vector.broadcast %and3A_171 : i32 to vector<16xi32>
        %and3A_173 = arith.andi %convert_element_type3A_170, %and3A_172 : vector<16xi32>
        %mul3A_174 = arith.constant 0x4B000000 : f32
        %mul3A_175 = vector.broadcast %mul3A_174 : f32 to vector<16xf32>
        %mul3A_176 = arith.mulf %get3A_166, %mul3A_175 : vector<16xf32>
        %convert_element_type3A_177 = arith.fptosi %mul3A_176 : vector<16xf32> to vector<16xi32>
        %and3A_178 = arith.constant 4095 : i32
        %and3A_179 = vector.broadcast %and3A_178 : i32 to vector<16xi32>
        %and3A_180 = arith.andi %convert_element_type3A_177, %and3A_179 : vector<16xi32>
        %broadcast_in_dim3A_181 = arith.constant true
        %broadcast_in_dim3A_182 = vector.broadcast %broadcast_in_dim3A_181 : i1 to vector<16xi1>
        %unique3A_183, %unique3A_184 = tpu.scan_count mask(%broadcast_in_dim3A_182 : vector<16xi1>) value(%and3A_173 : vector<16xi32>) : vector<16xi1>, vector<16xi32>
        tpu.vector_store_idx %arg10[%and3A_173], %unique3A_184 masked %unique3A_183 {add = true} : memref<4096xi32, #tpu.memory_space<vmem>>[vector<16xi32>], vector<16xi32>, vector<16xi1>
        %broadcast_in_dim3A_185 = arith.constant true
        %broadcast_in_dim3A_186 = vector.broadcast %broadcast_in_dim3A_185 : i1 to vector<16xi1>
        %unique3A_187, %unique3A_188 = tpu.scan_count mask(%broadcast_in_dim3A_186 : vector<16xi1>) value(%and3A_180 : vector<16xi32>) : vector<16xi1>, vector<16xi32>
        tpu.vector_store_idx %arg11[%and3A_180], %unique3A_188 masked %unique3A_187 {add = true} : memref<4096xi32, #tpu.memory_space<vmem>>[vector<16xi32>], vector<16xi32>, vector<16xi1>
      }
      %scan3A_25 = arith.constant 1024 : i32
      %scan3A_26 = arith.constant 0 : i32
      %scan3A_27 = arith.constant 0 : i32
      %scan3A_28 = arith.constant 256 : i32
      %scan3A_29 = arith.addi %scan3A_27, %scan3A_28 : i32
      %scan3A_30 = arith.constant 1 : i32
      %scan3A_31 = scf.for %scan3A_58 = %scan3A_27 to %scan3A_29 step %scan3A_30 iter_args(%scan3A_59 = %scan3A_26) -> (i32)  : i32 {
        %mul3A_60 = arith.constant 16 : i32
        %mul3A_61 = arith.muli %scan3A_58, %mul3A_60 : i32
        %get3A = arith.index_cast %mul3A_61 : i32 to index
        %get3A_62 = tpu.vector_load %arg10[%get3A] {strides = array<i32>} : memref<4096xi32, #tpu.memory_space<vmem>>, vector<16xi32>,
        %mul3A_63 = arith.constant 16 : i32
        %mul3A_64 = arith.muli %scan3A_58, %mul3A_63 : i32
        %get3A_65 = arith.index_cast %mul3A_64 : i32 to index
        %get3A_66 = tpu.vector_load %arg11[%get3A_65] {strides = array<i32>} : memref<4096xi32, #tpu.memory_space<vmem>>, vector<16xi32>,
        %add3A_67 = arith.addi %get3A_62, %get3A_66 : vector<16xi32>
        %broadcast_in_dim3A_68 = arith.constant true
        %broadcast_in_dim3A_69 = vector.broadcast %broadcast_in_dim3A_68 : i1 to vector<16xi1>
        %masked_cumsum3A = tpu.scan <sum>, %add3A_67 masked %broadcast_in_dim3A_69 : vector<16xi32>, vector<16xi1> -> vector<16xi32>
        %sub3A = arith.subi %masked_cumsum3A, %add3A_67 : vector<16xi32>
        %add3A_70 = vector.broadcast %scan3A_59 : i32 to vector<16xi32>
        %add3A_71 = arith.addi %sub3A, %add3A_70 : vector<16xi32>
        %mul3A_72 = arith.constant 16 : i32
        %mul3A_73 = arith.muli %scan3A_58, %mul3A_72 : i32
        %swap3A = arith.index_cast %mul3A_73 : i32 to index
        %swap3A_74 = tpu.vector_load %arg10[%swap3A] {strides = array<i32>} : memref<4096xi32, #tpu.memory_space<vmem>>, vector<16xi32>,
        tpu.vector_store %arg10[%swap3A], %add3A_71 {strides = array<i32>} : memref<4096xi32, #tpu.memory_space<vmem>>, vector<16xi32>,
        %add3A_75 = arith.addi %add3A_71, %get3A_62 : vector<16xi32>
        %mul3A_76 = arith.constant 16 : i32
        %mul3A_77 = arith.muli %scan3A_58, %mul3A_76 : i32
        %swap3A_78 = arith.index_cast %mul3A_77 : i32 to index
        %swap3A_79 = tpu.vector_load %arg11[%swap3A_78] {strides = array<i32>} : memref<4096xi32, #tpu.memory_space<vmem>>, vector<16xi32>,
        tpu.vector_store %arg11[%swap3A_78], %add3A_75 {strides = array<i32>} : memref<4096xi32, #tpu.memory_space<vmem>>, vector<16xi32>,
        %reduce_sum3A = arith.constant true
        %reduce_sum3A_80 = vector.broadcast %reduce_sum3A : i1 to vector<16xi1>
        %reduce_sum3A_81 = tpu.scan <sum>, %add3A_67 masked %reduce_sum3A_80 : vector<16xi32>, vector<16xi1> -> vector<16xi32>
        %reduce_sum3A_82 = vector.extract %reduce_sum3A_81[15] : i32 from vector<16xi32>
        %add3A_83 = arith.addi %scan3A_59, %reduce_sum3A_82 : i32
        scf.yield %add3A_83 : i32
      }
      %scan3A_32 = arith.constant 256 : i32
      %scan3A_33 = arith.constant 0 : i32
      %scan3A_34 = arith.constant 0 : i32
      %scan3A_35 = arith.constant 1024 : i32
      %scan3A_36 = arith.addi %scan3A_34, %scan3A_35 : i32
      %scan3A_37 = arith.constant 8 : i32
      scf.for %scan3A_58 = %scan3A_34 to %scan3A_36 step %scan3A_37  : i32 {
        %mul3A_59 = arith.constant 16 : i32
        %mul3A_60 = arith.muli %scan3A_58, %mul3A_59 : i32
        %get3A = arith.index_cast %mul3A_60 : i32 to index
        %get3A_61 = tpu.vector_load %arg6[%get3A] {strides = array<i32>} : memref<32768xf32, #tpu.memory_space<vmem>>, vector<16xf32>,
        %mul3A_62 = arith.constant 16 : i32
        %mul3A_63 = arith.muli %scan3A_58, %mul3A_62 : i32
        %add3A_64 = arith.constant 16384 : i32
        %add3A_65 = arith.addi %add3A_64, %mul3A_63 : i32
        %get3A_66 = arith.index_cast %add3A_65 : i32 to index
        %get3A_67 = tpu.vector_load %arg6[%get3A_66] {strides = array<i32>} : memref<32768xf32, #tpu.memory_space<vmem>>, vector<16xf32>,
        %mul3A_68 = arith.constant 0x4B000000 : f32
        %mul3A_69 = vector.broadcast %mul3A_68 : f32 to vector<16xf32>
        %mul3A_70 = arith.mulf %get3A_61, %mul3A_69 : vector<16xf32>
        %convert_element_type3A = arith.fptosi %mul3A_70 : vector<16xf32> to vector<16xi32>
        %mul3A_71 = arith.constant 0x4B000000 : f32
        %mul3A_72 = vector.broadcast %mul3A_71 : f32 to vector<16xf32>
        %mul3A_73 = arith.mulf %get3A_67, %mul3A_72 : vector<16xf32>
        %convert_element_type3A_74 = arith.fptosi %mul3A_73 : vector<16xf32> to vector<16xi32>
        %and3A = arith.constant 4095 : i32
        %and3A_75 = vector.broadcast %and3A : i32 to vector<16xi32>
        %and3A_76 = arith.andi %convert_element_type3A, %and3A_75 : vector<16xi32>
        %shift_right_arithmetic3A = arith.constant 12 : i32
        %shift_right_arithmetic3A_77 = vector.broadcast %shift_right_arithmetic3A : i32 to vector<16xi32>
        %shift_right_arithmetic3A_78 = arith.shrsi %convert_element_type3A, %shift_right_arithmetic3A_77 : vector<16xi32>
        %mul3A_79 = arith.constant 16 : i32
        %mul3A_80 = arith.muli %scan3A_58, %mul3A_79 : i32
        %add3A_81 = vector.broadcast %mul3A_80 : i32 to vector<16xi32>
        %add3A_82 = arith.addi %iota3A, %add3A_81 : vector<16xi32>
        %broadcast_in_dim3A_83 = arith.constant true
        %broadcast_in_dim3A_84 = vector.broadcast %broadcast_in_dim3A_83 : i1 to vector<16xi1>
        %unique3A, %unique3A_85 = tpu.scan_count mask(%broadcast_in_dim3A_84 : vector<16xi1>) value(%and3A_76 : vector<16xi32>) : vector<16xi1>, vector<16xi32>
        %gather3A = tpu.vector_load_idx %arg10[%and3A_76] : memref<4096xi32, #tpu.memory_space<vmem>>[vector<16xi32>], vector<16xi32>,
        %add3A_86 = arith.addi %gather3A, %unique3A_85 : vector<16xi32>
        %sub3A = arith.constant 1 : i32
        %sub3A_87 = vector.broadcast %sub3A : i32 to vector<16xi32>
        %sub3A_88 = arith.subi %add3A_86, %sub3A_87 : vector<16xi32>
        %shift_left3A = arith.constant 15 : i32
        %shift_left3A_89 = vector.broadcast %shift_left3A : i32 to vector<16xi32>
        %shift_left3A_90 = arith.shli %shift_right_arithmetic3A_78, %shift_left3A_89 : vector<16xi32>
        %or3A = arith.ori %shift_left3A_90, %add3A_82 : vector<16xi32>
        tpu.vector_store_idx %arg7[%sub3A_88], %or3A : memref<32768xi32, #tpu.memory_space<vmem>>[vector<16xi32>], vector<16xi32>,
        %add3A_91 = arith.constant 1 : i32
        %add3A_92 = vector.broadcast %add3A_91 : i32 to vector<16xi32>
        %add3A_93 = arith.addi %sub3A_88, %add3A_92 : vector<16xi32>
        tpu.vector_store_idx %arg10[%and3A_76], %add3A_93 masked %unique3A : memref<4096xi32, #tpu.memory_space<vmem>>[vector<16xi32>], vector<16xi32>, vector<16xi1>
        %and3A_94 = arith.constant 4095 : i32
        %and3A_95 = vector.broadcast %and3A_94 : i32 to vector<16xi32>
        %and3A_96 = arith.andi %convert_element_type3A_74, %and3A_95 : vector<16xi32>
        %shift_right_arithmetic3A_97 = arith.constant 12 : i32
        %shift_right_arithmetic3A_98 = vector.broadcast %shift_right_arithmetic3A_97 : i32 to vector<16xi32>
        %shift_right_arithmetic3A_99 = arith.shrsi %convert_element_type3A_74, %shift_right_arithmetic3A_98 : vector<16xi32>
        %add3A_100 = arith.constant 16384 : i32
        %add3A_101 = vector.broadcast %add3A_100 : i32 to vector<16xi32>
        %add3A_102 = arith.addi %iota3A, %add3A_101 : vector<16xi32>
        %mul3A_103 = arith.constant 16 : i32
        %mul3A_104 = arith.muli %scan3A_58, %mul3A_103 : i32
        %add3A_105 = vector.broadcast %mul3A_104 : i32 to vector<16xi32>
        %add3A_106 = arith.addi %add3A_102, %add3A_105 : vector<16xi32>
        %broadcast_in_dim3A_107 = arith.constant true
        %broadcast_in_dim3A_108 = vector.broadcast %broadcast_in_dim3A_107 : i1 to vector<16xi1>
        %unique3A_109, %unique3A_110 = tpu.scan_count mask(%broadcast_in_dim3A_108 : vector<16xi1>) value(%and3A_96 : vector<16xi32>) : vector<16xi1>, vector<16xi32>
        %gather3A_111 = tpu.vector_load_idx %arg11[%and3A_96] : memref<4096xi32, #tpu.memory_space<vmem>>[vector<16xi32>], vector<16xi32>,
        %add3A_112 = arith.addi %gather3A_111, %unique3A_110 : vector<16xi32>
        %sub3A_113 = arith.constant 1 : i32
        %sub3A_114 = vector.broadcast %sub3A_113 : i32 to vector<16xi32>
        %sub3A_115 = arith.subi %add3A_112, %sub3A_114 : vector<16xi32>
        %shift_left3A_116 = arith.constant 15 : i32
        %shift_left3A_117 = vector.broadcast %shift_left3A_116 : i32 to vector<16xi32>
        %shift_left3A_118 = arith.shli %shift_right_arithmetic3A_99, %shift_left3A_117 : vector<16xi32>
        %or3A_119 = arith.ori %shift_left3A_118, %add3A_106 : vector<16xi32>
        tpu.vector_store_idx %arg7[%sub3A_115], %or3A_119 : memref<32768xi32, #tpu.memory_space<vmem>>[vector<16xi32>], vector<16xi32>,
        %add3A_120 = arith.constant 1 : i32
        %add3A_121 = vector.broadcast %add3A_120 : i32 to vector<16xi32>
        %add3A_122 = arith.addi %sub3A_115, %add3A_121 : vector<16xi32>
        tpu.vector_store_idx %arg11[%and3A_96], %add3A_122 masked %unique3A_109 : memref<4096xi32, #tpu.memory_space<vmem>>[vector<16xi32>], vector<16xi32>, vector<16xi1>
        %scan3A_123 = arith.constant 1 : i32
        %scan3A_124 = arith.addi %scan3A_58, %scan3A_123 : i32
        %mul3A_125 = arith.constant 16 : i32
        %mul3A_126 = arith.muli %scan3A_124, %mul3A_125 : i32
        %get3A_127 = arith.index_cast %mul3A_126 : i32 to index
        %get3A_128 = tpu.vector_load %arg6[%get3A_127] {strides = array<i32>} : memref<32768xf32, #tpu.memory_space<vmem>>, vector<16xf32>,
        %mul3A_129 = arith.constant 16 : i32
        %mul3A_130 = arith.muli %scan3A_124, %mul3A_129 : i32
        %add3A_131 = arith.constant 16384 : i32
        %add3A_132 = arith.addi %add3A_131, %mul3A_130 : i32
        %get3A_133 = arith.index_cast %add3A_132 : i32 to index
        %get3A_134 = tpu.vector_load %arg6[%get3A_133] {strides = array<i32>} : memref<32768xf32, #tpu.memory_space<vmem>>, vector<16xf32>,
        %mul3A_135 = arith.constant 0x4B000000 : f32
        %mul3A_136 = vector.broadcast %mul3A_135 : f32 to vector<16xf32>
        %mul3A_137 = arith.mulf %get3A_128, %mul3A_136 : vector<16xf32>
        %convert_element_type3A_138 = arith.fptosi %mul3A_137 : vector<16xf32> to vector<16xi32>
        %mul3A_139 = arith.constant 0x4B000000 : f32
        %mul3A_140 = vector.broadcast %mul3A_139 : f32 to vector<16xf32>
        %mul3A_141 = arith.mulf %get3A_134, %mul3A_140 : vector<16xf32>
        %convert_element_type3A_142 = arith.fptosi %mul3A_141 : vector<16xf32> to vector<16xi32>
        %and3A_143 = arith.constant 4095 : i32
        %and3A_144 = vector.broadcast %and3A_143 : i32 to vector<16xi32>
        %and3A_145 = arith.andi %convert_element_type3A_138, %and3A_144 : vector<16xi32>
        %shift_right_arithmetic3A_146 = arith.constant 12 : i32
        %shift_right_arithmetic3A_147 = vector.broadcast %shift_right_arithmetic3A_146 : i32 to vector<16xi32>
        %shift_right_arithmetic3A_148 = arith.shrsi %convert_element_type3A_138, %shift_right_arithmetic3A_147 : vector<16xi32>
        %mul3A_149 = arith.constant 16 : i32
        %mul3A_150 = arith.muli %scan3A_124, %mul3A_149 : i32
        %add3A_151 = vector.broadcast %mul3A_150 : i32 to vector<16xi32>
        %add3A_152 = arith.addi %iota3A, %add3A_151 : vector<16xi32>
        %broadcast_in_dim3A_153 = arith.constant true
        %broadcast_in_dim3A_154 = vector.broadcast %broadcast_in_dim3A_153 : i1 to vector<16xi1>
        %unique3A_155, %unique3A_156 = tpu.scan_count mask(%broadcast_in_dim3A_154 : vector<16xi1>) value(%and3A_145 : vector<16xi32>) : vector<16xi1>, vector<16xi32>
        %gather3A_157 = tpu.vector_load_idx %arg10[%and3A_145] : memref<4096xi32, #tpu.memory_space<vmem>>[vector<16xi32>], vector<16xi32>,
        %add3A_158 = arith.addi %gather3A_157, %unique3A_156 : vector<16xi32>
        %sub3A_159 = arith.constant 1 : i32
        %sub3A_160 = vector.broadcast %sub3A_159 : i32 to vector<16xi32>
        %sub3A_161 = arith.subi %add3A_158, %sub3A_160 : vector<16xi32>
        %shift_left3A_162 = arith.constant 15 : i32
        %shift_left3A_163 = vector.broadcast %shift_left3A_162 : i32 to vector<16xi32>
        %shift_left3A_164 = arith.shli %shift_right_arithmetic3A_148, %shift_left3A_163 : vector<16xi32>
        %or3A_165 = arith.ori %shift_left3A_164, %add3A_152 : vector<16xi32>
        tpu.vector_store_idx %arg7[%sub3A_161], %or3A_165 : memref<32768xi32, #tpu.memory_space<vmem>>[vector<16xi32>], vector<16xi32>,
        %add3A_166 = arith.constant 1 : i32
        %add3A_167 = vector.broadcast %add3A_166 : i32 to vector<16xi32>
        %add3A_168 = arith.addi %sub3A_161, %add3A_167 : vector<16xi32>
        tpu.vector_store_idx %arg10[%and3A_145], %add3A_168 masked %unique3A_155 : memref<4096xi32, #tpu.memory_space<vmem>>[vector<16xi32>], vector<16xi32>, vector<16xi1>
        %and3A_169 = arith.constant 4095 : i32
        %and3A_170 = vector.broadcast %and3A_169 : i32 to vector<16xi32>
        %and3A_171 = arith.andi %convert_element_type3A_142, %and3A_170 : vector<16xi32>
        %shift_right_arithmetic3A_172 = arith.constant 12 : i32
        %shift_right_arithmetic3A_173 = vector.broadcast %shift_right_arithmetic3A_172 : i32 to vector<16xi32>
        %shift_right_arithmetic3A_174 = arith.shrsi %convert_element_type3A_142, %shift_right_arithmetic3A_173 : vector<16xi32>
        %add3A_175 = arith.constant 16384 : i32
        %add3A_176 = vector.broadcast %add3A_175 : i32 to vector<16xi32>
        %add3A_177 = arith.addi %iota3A, %add3A_176 : vector<16xi32>
        %mul3A_178 = arith.constant 16 : i32
        %mul3A_179 = arith.muli %scan3A_124, %mul3A_178 : i32
        %add3A_180 = vector.broadcast %mul3A_179 : i32 to vector<16xi32>
        %add3A_181 = arith.addi %add3A_177, %add3A_180 : vector<16xi32>
        %broadcast_in_dim3A_182 = arith.constant true
        %broadcast_in_dim3A_183 = vector.broadcast %broadcast_in_dim3A_182 : i1 to vector<16xi1>
        %unique3A_184, %unique3A_185 = tpu.scan_count mask(%broadcast_in_dim3A_183 : vector<16xi1>) value(%and3A_171 : vector<16xi32>) : vector<16xi1>, vector<16xi32>
        %gather3A_186 = tpu.vector_load_idx %arg11[%and3A_171] : memref<4096xi32, #tpu.memory_space<vmem>>[vector<16xi32>], vector<16xi32>,
        %add3A_187 = arith.addi %gather3A_186, %unique3A_185 : vector<16xi32>
        %sub3A_188 = arith.constant 1 : i32
        %sub3A_189 = vector.broadcast %sub3A_188 : i32 to vector<16xi32>
        %sub3A_190 = arith.subi %add3A_187, %sub3A_189 : vector<16xi32>
        %shift_left3A_191 = arith.constant 15 : i32
        %shift_left3A_192 = vector.broadcast %shift_left3A_191 : i32 to vector<16xi32>
        %shift_left3A_193 = arith.shli %shift_right_arithmetic3A_174, %shift_left3A_192 : vector<16xi32>
        %or3A_194 = arith.ori %shift_left3A_193, %add3A_181 : vector<16xi32>
        tpu.vector_store_idx %arg7[%sub3A_190], %or3A_194 : memref<32768xi32, #tpu.memory_space<vmem>>[vector<16xi32>], vector<16xi32>,
        %add3A_195 = arith.constant 1 : i32
        %add3A_196 = vector.broadcast %add3A_195 : i32 to vector<16xi32>
        %add3A_197 = arith.addi %sub3A_190, %add3A_196 : vector<16xi32>
        tpu.vector_store_idx %arg11[%and3A_171], %add3A_197 masked %unique3A_184 : memref<4096xi32, #tpu.memory_space<vmem>>[vector<16xi32>], vector<16xi32>, vector<16xi1>
        %scan3A_198 = arith.constant 2 : i32
        %scan3A_199 = arith.addi %scan3A_58, %scan3A_198 : i32
        %mul3A_200 = arith.constant 16 : i32
        %mul3A_201 = arith.muli %scan3A_199, %mul3A_200 : i32
        %get3A_202 = arith.index_cast %mul3A_201 : i32 to index
        %get3A_203 = tpu.vector_load %arg6[%get3A_202] {strides = array<i32>} : memref<32768xf32, #tpu.memory_space<vmem>>, vector<16xf32>,
        %mul3A_204 = arith.constant 16 : i32
        %mul3A_205 = arith.muli %scan3A_199, %mul3A_204 : i32
        %add3A_206 = arith.constant 16384 : i32
        %add3A_207 = arith.addi %add3A_206, %mul3A_205 : i32
        %get3A_208 = arith.index_cast %add3A_207 : i32 to index
        %get3A_209 = tpu.vector_load %arg6[%get3A_208] {strides = array<i32>} : memref<32768xf32, #tpu.memory_space<vmem>>, vector<16xf32>,
        %mul3A_210 = arith.constant 0x4B000000 : f32
        %mul3A_211 = vector.broadcast %mul3A_210 : f32 to vector<16xf32>
        %mul3A_212 = arith.mulf %get3A_203, %mul3A_211 : vector<16xf32>
        %convert_element_type3A_213 = arith.fptosi %mul3A_212 : vector<16xf32> to vector<16xi32>
        %mul3A_214 = arith.constant 0x4B000000 : f32
        %mul3A_215 = vector.broadcast %mul3A_214 : f32 to vector<16xf32>
        %mul3A_216 = arith.mulf %get3A_209, %mul3A_215 : vector<16xf32>
        %convert_element_type3A_217 = arith.fptosi %mul3A_216 : vector<16xf32> to vector<16xi32>
        %and3A_218 = arith.constant 4095 : i32
        %and3A_219 = vector.broadcast %and3A_218 : i32 to vector<16xi32>
        %and3A_220 = arith.andi %convert_element_type3A_213, %and3A_219 : vector<16xi32>
        %shift_right_arithmetic3A_221 = arith.constant 12 : i32
        %shift_right_arithmetic3A_222 = vector.broadcast %shift_right_arithmetic3A_221 : i32 to vector<16xi32>
        %shift_right_arithmetic3A_223 = arith.shrsi %convert_element_type3A_213, %shift_right_arithmetic3A_222 : vector<16xi32>
        %mul3A_224 = arith.constant 16 : i32
        %mul3A_225 = arith.muli %scan3A_199, %mul3A_224 : i32
        %add3A_226 = vector.broadcast %mul3A_225 : i32 to vector<16xi32>
        %add3A_227 = arith.addi %iota3A, %add3A_226 : vector<16xi32>
        %broadcast_in_dim3A_228 = arith.constant true
        %broadcast_in_dim3A_229 = vector.broadcast %broadcast_in_dim3A_228 : i1 to vector<16xi1>
        %unique3A_230, %unique3A_231 = tpu.scan_count mask(%broadcast_in_dim3A_229 : vector<16xi1>) value(%and3A_220 : vector<16xi32>) : vector<16xi1>, vector<16xi32>
        %gather3A_232 = tpu.vector_load_idx %arg10[%and3A_220] : memref<4096xi32, #tpu.memory_space<vmem>>[vector<16xi32>], vector<16xi32>,
        %add3A_233 = arith.addi %gather3A_232, %unique3A_231 : vector<16xi32>
        %sub3A_234 = arith.constant 1 : i32
        %sub3A_235 = vector.broadcast %sub3A_234 : i32 to vector<16xi32>
        %sub3A_236 = arith.subi %add3A_233, %sub3A_235 : vector<16xi32>
        %shift_left3A_237 = arith.constant 15 : i32
        %shift_left3A_238 = vector.broadcast %shift_left3A_237 : i32 to vector<16xi32>
        %shift_left3A_239 = arith.shli %shift_right_arithmetic3A_223, %shift_left3A_238 : vector<16xi32>
        %or3A_240 = arith.ori %shift_left3A_239, %add3A_227 : vector<16xi32>
        tpu.vector_store_idx %arg7[%sub3A_236], %or3A_240 : memref<32768xi32, #tpu.memory_space<vmem>>[vector<16xi32>], vector<16xi32>,
        %add3A_241 = arith.constant 1 : i32
        %add3A_242 = vector.broadcast %add3A_241 : i32 to vector<16xi32>
        %add3A_243 = arith.addi %sub3A_236, %add3A_242 : vector<16xi32>
        tpu.vector_store_idx %arg10[%and3A_220], %add3A_243 masked %unique3A_230 : memref<4096xi32, #tpu.memory_space<vmem>>[vector<16xi32>], vector<16xi32>, vector<16xi1>
        %and3A_244 = arith.constant 4095 : i32
        %and3A_245 = vector.broadcast %and3A_244 : i32 to vector<16xi32>
        %and3A_246 = arith.andi %convert_element_type3A_217, %and3A_245 : vector<16xi32>
        %shift_right_arithmetic3A_247 = arith.constant 12 : i32
        %shift_right_arithmetic3A_248 = vector.broadcast %shift_right_arithmetic3A_247 : i32 to vector<16xi32>
        %shift_right_arithmetic3A_249 = arith.shrsi %convert_element_type3A_217, %shift_right_arithmetic3A_248 : vector<16xi32>
        %add3A_250 = arith.constant 16384 : i32
        %add3A_251 = vector.broadcast %add3A_250 : i32 to vector<16xi32>
        %add3A_252 = arith.addi %iota3A, %add3A_251 : vector<16xi32>
        %mul3A_253 = arith.constant 16 : i32
        %mul3A_254 = arith.muli %scan3A_199, %mul3A_253 : i32
        %add3A_255 = vector.broadcast %mul3A_254 : i32 to vector<16xi32>
        %add3A_256 = arith.addi %add3A_252, %add3A_255 : vector<16xi32>
        %broadcast_in_dim3A_257 = arith.constant true
        %broadcast_in_dim3A_258 = vector.broadcast %broadcast_in_dim3A_257 : i1 to vector<16xi1>
        %unique3A_259, %unique3A_260 = tpu.scan_count mask(%broadcast_in_dim3A_258 : vector<16xi1>) value(%and3A_246 : vector<16xi32>) : vector<16xi1>, vector<16xi32>
        %gather3A_261 = tpu.vector_load_idx %arg11[%and3A_246] : memref<4096xi32, #tpu.memory_space<vmem>>[vector<16xi32>], vector<16xi32>,
        %add3A_262 = arith.addi %gather3A_261, %unique3A_260 : vector<16xi32>
        %sub3A_263 = arith.constant 1 : i32
        %sub3A_264 = vector.broadcast %sub3A_263 : i32 to vector<16xi32>
        %sub3A_265 = arith.subi %add3A_262, %sub3A_264 : vector<16xi32>
        %shift_left3A_266 = arith.constant 15 : i32
        %shift_left3A_267 = vector.broadcast %shift_left3A_266 : i32 to vector<16xi32>
        %shift_left3A_268 = arith.shli %shift_right_arithmetic3A_249, %shift_left3A_267 : vector<16xi32>
        %or3A_269 = arith.ori %shift_left3A_268, %add3A_256 : vector<16xi32>
        tpu.vector_store_idx %arg7[%sub3A_265], %or3A_269 : memref<32768xi32, #tpu.memory_space<vmem>>[vector<16xi32>], vector<16xi32>,
        %add3A_270 = arith.constant 1 : i32
        %add3A_271 = vector.broadcast %add3A_270 : i32 to vector<16xi32>
        %add3A_272 = arith.addi %sub3A_265, %add3A_271 : vector<16xi32>
        tpu.vector_store_idx %arg11[%and3A_246], %add3A_272 masked %unique3A_259 : memref<4096xi32, #tpu.memory_space<vmem>>[vector<16xi32>], vector<16xi32>, vector<16xi1>
        %scan3A_273 = arith.constant 3 : i32
        %scan3A_274 = arith.addi %scan3A_58, %scan3A_273 : i32
        %mul3A_275 = arith.constant 16 : i32
        %mul3A_276 = arith.muli %scan3A_274, %mul3A_275 : i32
        %get3A_277 = arith.index_cast %mul3A_276 : i32 to index
        %get3A_278 = tpu.vector_load %arg6[%get3A_277] {strides = array<i32>} : memref<32768xf32, #tpu.memory_space<vmem>>, vector<16xf32>,
        %mul3A_279 = arith.constant 16 : i32
        %mul3A_280 = arith.muli %scan3A_274, %mul3A_279 : i32
        %add3A_281 = arith.constant 16384 : i32
        %add3A_282 = arith.addi %add3A_281, %mul3A_280 : i32
        %get3A_283 = arith.index_cast %add3A_282 : i32 to index
        %get3A_284 = tpu.vector_load %arg6[%get3A_283] {strides = array<i32>} : memref<32768xf32, #tpu.memory_space<vmem>>, vector<16xf32>,
        %mul3A_285 = arith.constant 0x4B000000 : f32
        %mul3A_286 = vector.broadcast %mul3A_285 : f32 to vector<16xf32>
        %mul3A_287 = arith.mulf %get3A_278, %mul3A_286 : vector<16xf32>
        %convert_element_type3A_288 = arith.fptosi %mul3A_287 : vector<16xf32> to vector<16xi32>
        %mul3A_289 = arith.constant 0x4B000000 : f32
        %mul3A_290 = vector.broadcast %mul3A_289 : f32 to vector<16xf32>
        %mul3A_291 = arith.mulf %get3A_284, %mul3A_290 : vector<16xf32>
        %convert_element_type3A_292 = arith.fptosi %mul3A_291 : vector<16xf32> to vector<16xi32>
        %and3A_293 = arith.constant 4095 : i32
        %and3A_294 = vector.broadcast %and3A_293 : i32 to vector<16xi32>
        %and3A_295 = arith.andi %convert_element_type3A_288, %and3A_294 : vector<16xi32>
        %shift_right_arithmetic3A_296 = arith.constant 12 : i32
        %shift_right_arithmetic3A_297 = vector.broadcast %shift_right_arithmetic3A_296 : i32 to vector<16xi32>
        %shift_right_arithmetic3A_298 = arith.shrsi %convert_element_type3A_288, %shift_right_arithmetic3A_297 : vector<16xi32>
        %mul3A_299 = arith.constant 16 : i32
        %mul3A_300 = arith.muli %scan3A_274, %mul3A_299 : i32
        %add3A_301 = vector.broadcast %mul3A_300 : i32 to vector<16xi32>
        %add3A_302 = arith.addi %iota3A, %add3A_301 : vector<16xi32>
        %broadcast_in_dim3A_303 = arith.constant true
        %broadcast_in_dim3A_304 = vector.broadcast %broadcast_in_dim3A_303 : i1 to vector<16xi1>
        %unique3A_305, %unique3A_306 = tpu.scan_count mask(%broadcast_in_dim3A_304 : vector<16xi1>) value(%and3A_295 : vector<16xi32>) : vector<16xi1>, vector<16xi32>
        %gather3A_307 = tpu.vector_load_idx %arg10[%and3A_295] : memref<4096xi32, #tpu.memory_space<vmem>>[vector<16xi32>], vector<16xi32>,
        %add3A_308 = arith.addi %gather3A_307, %unique3A_306 : vector<16xi32>
        %sub3A_309 = arith.constant 1 : i32
        %sub3A_310 = vector.broadcast %sub3A_309 : i32 to vector<16xi32>
        %sub3A_311 = arith.subi %add3A_308, %sub3A_310 : vector<16xi32>
        %shift_left3A_312 = arith.constant 15 : i32
        %shift_left3A_313 = vector.broadcast %shift_left3A_312 : i32 to vector<16xi32>
        %shift_left3A_314 = arith.shli %shift_right_arithmetic3A_298, %shift_left3A_313 : vector<16xi32>
        %or3A_315 = arith.ori %shift_left3A_314, %add3A_302 : vector<16xi32>
        tpu.vector_store_idx %arg7[%sub3A_311], %or3A_315 : memref<32768xi32, #tpu.memory_space<vmem>>[vector<16xi32>], vector<16xi32>,
        %add3A_316 = arith.constant 1 : i32
        %add3A_317 = vector.broadcast %add3A_316 : i32 to vector<16xi32>
        %add3A_318 = arith.addi %sub3A_311, %add3A_317 : vector<16xi32>
        tpu.vector_store_idx %arg10[%and3A_295], %add3A_318 masked %unique3A_305 : memref<4096xi32, #tpu.memory_space<vmem>>[vector<16xi32>], vector<16xi32>, vector<16xi1>
        %and3A_319 = arith.constant 4095 : i32
        %and3A_320 = vector.broadcast %and3A_319 : i32 to vector<16xi32>
        %and3A_321 = arith.andi %convert_element_type3A_292, %and3A_320 : vector<16xi32>
        %shift_right_arithmetic3A_322 = arith.constant 12 : i32
        %shift_right_arithmetic3A_323 = vector.broadcast %shift_right_arithmetic3A_322 : i32 to vector<16xi32>
        %shift_right_arithmetic3A_324 = arith.shrsi %convert_element_type3A_292, %shift_right_arithmetic3A_323 : vector<16xi32>
        %add3A_325 = arith.constant 16384 : i32
        %add3A_326 = vector.broadcast %add3A_325 : i32 to vector<16xi32>
        %add3A_327 = arith.addi %iota3A, %add3A_326 : vector<16xi32>
        %mul3A_328 = arith.constant 16 : i32
        %mul3A_329 = arith.muli %scan3A_274, %mul3A_328 : i32
        %add3A_330 = vector.broadcast %mul3A_329 : i32 to vector<16xi32>
        %add3A_331 = arith.addi %add3A_327, %add3A_330 : vector<16xi32>
        %broadcast_in_dim3A_332 = arith.constant true
        %broadcast_in_dim3A_333 = vector.broadcast %broadcast_in_dim3A_332 : i1 to vector<16xi1>
        %unique3A_334, %unique3A_335 = tpu.scan_count mask(%broadcast_in_dim3A_333 : vector<16xi1>) value(%and3A_321 : vector<16xi32>) : vector<16xi1>, vector<16xi32>
        %gather3A_336 = tpu.vector_load_idx %arg11[%and3A_321] : memref<4096xi32, #tpu.memory_space<vmem>>[vector<16xi32>], vector<16xi32>,
        %add3A_337 = arith.addi %gather3A_336, %unique3A_335 : vector<16xi32>
        %sub3A_338 = arith.constant 1 : i32
        %sub3A_339 = vector.broadcast %sub3A_338 : i32 to vector<16xi32>
        %sub3A_340 = arith.subi %add3A_337, %sub3A_339 : vector<16xi32>
        %shift_left3A_341 = arith.constant 15 : i32
        %shift_left3A_342 = vector.broadcast %shift_left3A_341 : i32 to vector<16xi32>
        %shift_left3A_343 = arith.shli %shift_right_arithmetic3A_324, %shift_left3A_342 : vector<16xi32>
        %or3A_344 = arith.ori %shift_left3A_343, %add3A_331 : vector<16xi32>
        tpu.vector_store_idx %arg7[%sub3A_340], %or3A_344 : memref<32768xi32, #tpu.memory_space<vmem>>[vector<16xi32>], vector<16xi32>,
        %add3A_345 = arith.constant 1 : i32
        %add3A_346 = vector.broadcast %add3A_345 : i32 to vector<16xi32>
        %add3A_347 = arith.addi %sub3A_340, %add3A_346 : vector<16xi32>
        tpu.vector_store_idx %arg11[%and3A_321], %add3A_347 masked %unique3A_334 : memref<4096xi32, #tpu.memory_space<vmem>>[vector<16xi32>], vector<16xi32>, vector<16xi1>
        %scan3A_348 = arith.constant 4 : i32
        %scan3A_349 = arith.addi %scan3A_58, %scan3A_348 : i32
        %mul3A_350 = arith.constant 16 : i32
        %mul3A_351 = arith.muli %scan3A_349, %mul3A_350 : i32
        %get3A_352 = arith.index_cast %mul3A_351 : i32 to index
        %get3A_353 = tpu.vector_load %arg6[%get3A_352] {strides = array<i32>} : memref<32768xf32, #tpu.memory_space<vmem>>, vector<16xf32>,
        %mul3A_354 = arith.constant 16 : i32
        %mul3A_355 = arith.muli %scan3A_349, %mul3A_354 : i32
        %add3A_356 = arith.constant 16384 : i32
        %add3A_357 = arith.addi %add3A_356, %mul3A_355 : i32
        %get3A_358 = arith.index_cast %add3A_357 : i32 to index
        %get3A_359 = tpu.vector_load %arg6[%get3A_358] {strides = array<i32>} : memref<32768xf32, #tpu.memory_space<vmem>>, vector<16xf32>,
        %mul3A_360 = arith.constant 0x4B000000 : f32
        %mul3A_361 = vector.broadcast %mul3A_360 : f32 to vector<16xf32>
        %mul3A_362 = arith.mulf %get3A_353, %mul3A_361 : vector<16xf32>
        %convert_element_type3A_363 = arith.fptosi %mul3A_362 : vector<16xf32> to vector<16xi32>
        %mul3A_364 = arith.constant 0x4B000000 : f32
        %mul3A_365 = vector.broadcast %mul3A_364 : f32 to vector<16xf32>
        %mul3A_366 = arith.mulf %get3A_359, %mul3A_365 : vector<16xf32>
        %convert_element_type3A_367 = arith.fptosi %mul3A_366 : vector<16xf32> to vector<16xi32>
        %and3A_368 = arith.constant 4095 : i32
        %and3A_369 = vector.broadcast %and3A_368 : i32 to vector<16xi32>
        %and3A_370 = arith.andi %convert_element_type3A_363, %and3A_369 : vector<16xi32>
        %shift_right_arithmetic3A_371 = arith.constant 12 : i32
        %shift_right_arithmetic3A_372 = vector.broadcast %shift_right_arithmetic3A_371 : i32 to vector<16xi32>
        %shift_right_arithmetic3A_373 = arith.shrsi %convert_element_type3A_363, %shift_right_arithmetic3A_372 : vector<16xi32>
        %mul3A_374 = arith.constant 16 : i32
        %mul3A_375 = arith.muli %scan3A_349, %mul3A_374 : i32
        %add3A_376 = vector.broadcast %mul3A_375 : i32 to vector<16xi32>
        %add3A_377 = arith.addi %iota3A, %add3A_376 : vector<16xi32>
        %broadcast_in_dim3A_378 = arith.constant true
        %broadcast_in_dim3A_379 = vector.broadcast %broadcast_in_dim3A_378 : i1 to vector<16xi1>
        %unique3A_380, %unique3A_381 = tpu.scan_count mask(%broadcast_in_dim3A_379 : vector<16xi1>) value(%and3A_370 : vector<16xi32>) : vector<16xi1>, vector<16xi32>
        %gather3A_382 = tpu.vector_load_idx %arg10[%and3A_370] : memref<4096xi32, #tpu.memory_space<vmem>>[vector<16xi32>], vector<16xi32>,
        %add3A_383 = arith.addi %gather3A_382, %unique3A_381 : vector<16xi32>
        %sub3A_384 = arith.constant 1 : i32
        %sub3A_385 = vector.broadcast %sub3A_384 : i32 to vector<16xi32>
        %sub3A_386 = arith.subi %add3A_383, %sub3A_385 : vector<16xi32>
        %shift_left3A_387 = arith.constant 15 : i32
        %shift_left3A_388 = vector.broadcast %shift_left3A_387 : i32 to vector<16xi32>
        %shift_left3A_389 = arith.shli %shift_right_arithmetic3A_373, %shift_left3A_388 : vector<16xi32>
        %or3A_390 = arith.ori %shift_left3A_389, %add3A_377 : vector<16xi32>
        tpu.vector_store_idx %arg7[%sub3A_386], %or3A_390 : memref<32768xi32, #tpu.memory_space<vmem>>[vector<16xi32>], vector<16xi32>,
        %add3A_391 = arith.constant 1 : i32
        %add3A_392 = vector.broadcast %add3A_391 : i32 to vector<16xi32>
        %add3A_393 = arith.addi %sub3A_386, %add3A_392 : vector<16xi32>
        tpu.vector_store_idx %arg10[%and3A_370], %add3A_393 masked %unique3A_380 : memref<4096xi32, #tpu.memory_space<vmem>>[vector<16xi32>], vector<16xi32>, vector<16xi1>
        %and3A_394 = arith.constant 4095 : i32
        %and3A_395 = vector.broadcast %and3A_394 : i32 to vector<16xi32>
        %and3A_396 = arith.andi %convert_element_type3A_367, %and3A_395 : vector<16xi32>
        %shift_right_arithmetic3A_397 = arith.constant 12 : i32
        %shift_right_arithmetic3A_398 = vector.broadcast %shift_right_arithmetic3A_397 : i32 to vector<16xi32>
        %shift_right_arithmetic3A_399 = arith.shrsi %convert_element_type3A_367, %shift_right_arithmetic3A_398 : vector<16xi32>
        %add3A_400 = arith.constant 16384 : i32
        %add3A_401 = vector.broadcast %add3A_400 : i32 to vector<16xi32>
        %add3A_402 = arith.addi %iota3A, %add3A_401 : vector<16xi32>
        %mul3A_403 = arith.constant 16 : i32
        %mul3A_404 = arith.muli %scan3A_349, %mul3A_403 : i32
        %add3A_405 = vector.broadcast %mul3A_404 : i32 to vector<16xi32>
        %add3A_406 = arith.addi %add3A_402, %add3A_405 : vector<16xi32>
        %broadcast_in_dim3A_407 = arith.constant true
        %broadcast_in_dim3A_408 = vector.broadcast %broadcast_in_dim3A_407 : i1 to vector<16xi1>
        %unique3A_409, %unique3A_410 = tpu.scan_count mask(%broadcast_in_dim3A_408 : vector<16xi1>) value(%and3A_396 : vector<16xi32>) : vector<16xi1>, vector<16xi32>
        %gather3A_411 = tpu.vector_load_idx %arg11[%and3A_396] : memref<4096xi32, #tpu.memory_space<vmem>>[vector<16xi32>], vector<16xi32>,
        %add3A_412 = arith.addi %gather3A_411, %unique3A_410 : vector<16xi32>
        %sub3A_413 = arith.constant 1 : i32
        %sub3A_414 = vector.broadcast %sub3A_413 : i32 to vector<16xi32>
        %sub3A_415 = arith.subi %add3A_412, %sub3A_414 : vector<16xi32>
        %shift_left3A_416 = arith.constant 15 : i32
        %shift_left3A_417 = vector.broadcast %shift_left3A_416 : i32 to vector<16xi32>
        %shift_left3A_418 = arith.shli %shift_right_arithmetic3A_399, %shift_left3A_417 : vector<16xi32>
        %or3A_419 = arith.ori %shift_left3A_418, %add3A_406 : vector<16xi32>
        tpu.vector_store_idx %arg7[%sub3A_415], %or3A_419 : memref<32768xi32, #tpu.memory_space<vmem>>[vector<16xi32>], vector<16xi32>,
        %add3A_420 = arith.constant 1 : i32
        %add3A_421 = vector.broadcast %add3A_420 : i32 to vector<16xi32>
        %add3A_422 = arith.addi %sub3A_415, %add3A_421 : vector<16xi32>
        tpu.vector_store_idx %arg11[%and3A_396], %add3A_422 masked %unique3A_409 : memref<4096xi32, #tpu.memory_space<vmem>>[vector<16xi32>], vector<16xi32>, vector<16xi1>
        %scan3A_423 = arith.constant 5 : i32
        %scan3A_424 = arith.addi %scan3A_58, %scan3A_423 : i32
        %mul3A_425 = arith.constant 16 : i32
        %mul3A_426 = arith.muli %scan3A_424, %mul3A_425 : i32
        %get3A_427 = arith.index_cast %mul3A_426 : i32 to index
        %get3A_428 = tpu.vector_load %arg6[%get3A_427] {strides = array<i32>} : memref<32768xf32, #tpu.memory_space<vmem>>, vector<16xf32>,
        %mul3A_429 = arith.constant 16 : i32
        %mul3A_430 = arith.muli %scan3A_424, %mul3A_429 : i32
        %add3A_431 = arith.constant 16384 : i32
        %add3A_432 = arith.addi %add3A_431, %mul3A_430 : i32
        %get3A_433 = arith.index_cast %add3A_432 : i32 to index
        %get3A_434 = tpu.vector_load %arg6[%get3A_433] {strides = array<i32>} : memref<32768xf32, #tpu.memory_space<vmem>>, vector<16xf32>,
        %mul3A_435 = arith.constant 0x4B000000 : f32
        %mul3A_436 = vector.broadcast %mul3A_435 : f32 to vector<16xf32>
        %mul3A_437 = arith.mulf %get3A_428, %mul3A_436 : vector<16xf32>
        %convert_element_type3A_438 = arith.fptosi %mul3A_437 : vector<16xf32> to vector<16xi32>
        %mul3A_439 = arith.constant 0x4B000000 : f32
        %mul3A_440 = vector.broadcast %mul3A_439 : f32 to vector<16xf32>
        %mul3A_441 = arith.mulf %get3A_434, %mul3A_440 : vector<16xf32>
        %convert_element_type3A_442 = arith.fptosi %mul3A_441 : vector<16xf32> to vector<16xi32>
        %and3A_443 = arith.constant 4095 : i32
        %and3A_444 = vector.broadcast %and3A_443 : i32 to vector<16xi32>
        %and3A_445 = arith.andi %convert_element_type3A_438, %and3A_444 : vector<16xi32>
        %shift_right_arithmetic3A_446 = arith.constant 12 : i32
        %shift_right_arithmetic3A_447 = vector.broadcast %shift_right_arithmetic3A_446 : i32 to vector<16xi32>
        %shift_right_arithmetic3A_448 = arith.shrsi %convert_element_type3A_438, %shift_right_arithmetic3A_447 : vector<16xi32>
        %mul3A_449 = arith.constant 16 : i32
        %mul3A_450 = arith.muli %scan3A_424, %mul3A_449 : i32
        %add3A_451 = vector.broadcast %mul3A_450 : i32 to vector<16xi32>
        %add3A_452 = arith.addi %iota3A, %add3A_451 : vector<16xi32>
        %broadcast_in_dim3A_453 = arith.constant true
        %broadcast_in_dim3A_454 = vector.broadcast %broadcast_in_dim3A_453 : i1 to vector<16xi1>
        %unique3A_455, %unique3A_456 = tpu.scan_count mask(%broadcast_in_dim3A_454 : vector<16xi1>) value(%and3A_445 : vector<16xi32>) : vector<16xi1>, vector<16xi32>
        %gather3A_457 = tpu.vector_load_idx %arg10[%and3A_445] : memref<4096xi32, #tpu.memory_space<vmem>>[vector<16xi32>], vector<16xi32>,
        %add3A_458 = arith.addi %gather3A_457, %unique3A_456 : vector<16xi32>
        %sub3A_459 = arith.constant 1 : i32
        %sub3A_460 = vector.broadcast %sub3A_459 : i32 to vector<16xi32>
        %sub3A_461 = arith.subi %add3A_458, %sub3A_460 : vector<16xi32>
        %shift_left3A_462 = arith.constant 15 : i32
        %shift_left3A_463 = vector.broadcast %shift_left3A_462 : i32 to vector<16xi32>
        %shift_left3A_464 = arith.shli %shift_right_arithmetic3A_448, %shift_left3A_463 : vector<16xi32>
        %or3A_465 = arith.ori %shift_left3A_464, %add3A_452 : vector<16xi32>
        tpu.vector_store_idx %arg7[%sub3A_461], %or3A_465 : memref<32768xi32, #tpu.memory_space<vmem>>[vector<16xi32>], vector<16xi32>,
        %add3A_466 = arith.constant 1 : i32
        %add3A_467 = vector.broadcast %add3A_466 : i32 to vector<16xi32>
        %add3A_468 = arith.addi %sub3A_461, %add3A_467 : vector<16xi32>
        tpu.vector_store_idx %arg10[%and3A_445], %add3A_468 masked %unique3A_455 : memref<4096xi32, #tpu.memory_space<vmem>>[vector<16xi32>], vector<16xi32>, vector<16xi1>
        %and3A_469 = arith.constant 4095 : i32
        %and3A_470 = vector.broadcast %and3A_469 : i32 to vector<16xi32>
        %and3A_471 = arith.andi %convert_element_type3A_442, %and3A_470 : vector<16xi32>
        %shift_right_arithmetic3A_472 = arith.constant 12 : i32
        %shift_right_arithmetic3A_473 = vector.broadcast %shift_right_arithmetic3A_472 : i32 to vector<16xi32>
        %shift_right_arithmetic3A_474 = arith.shrsi %convert_element_type3A_442, %shift_right_arithmetic3A_473 : vector<16xi32>
        %add3A_475 = arith.constant 16384 : i32
        %add3A_476 = vector.broadcast %add3A_475 : i32 to vector<16xi32>
        %add3A_477 = arith.addi %iota3A, %add3A_476 : vector<16xi32>
        %mul3A_478 = arith.constant 16 : i32
        %mul3A_479 = arith.muli %scan3A_424, %mul3A_478 : i32
        %add3A_480 = vector.broadcast %mul3A_479 : i32 to vector<16xi32>
        %add3A_481 = arith.addi %add3A_477, %add3A_480 : vector<16xi32>
        %broadcast_in_dim3A_482 = arith.constant true
        %broadcast_in_dim3A_483 = vector.broadcast %broadcast_in_dim3A_482 : i1 to vector<16xi1>
        %unique3A_484, %unique3A_485 = tpu.scan_count mask(%broadcast_in_dim3A_483 : vector<16xi1>) value(%and3A_471 : vector<16xi32>) : vector<16xi1>, vector<16xi32>
        %gather3A_486 = tpu.vector_load_idx %arg11[%and3A_471] : memref<4096xi32, #tpu.memory_space<vmem>>[vector<16xi32>], vector<16xi32>,
        %add3A_487 = arith.addi %gather3A_486, %unique3A_485 : vector<16xi32>
        %sub3A_488 = arith.constant 1 : i32
        %sub3A_489 = vector.broadcast %sub3A_488 : i32 to vector<16xi32>
        %sub3A_490 = arith.subi %add3A_487, %sub3A_489 : vector<16xi32>
        %shift_left3A_491 = arith.constant 15 : i32
        %shift_left3A_492 = vector.broadcast %shift_left3A_491 : i32 to vector<16xi32>
        %shift_left3A_493 = arith.shli %shift_right_arithmetic3A_474, %shift_left3A_492 : vector<16xi32>
        %or3A_494 = arith.ori %shift_left3A_493, %add3A_481 : vector<16xi32>
        tpu.vector_store_idx %arg7[%sub3A_490], %or3A_494 : memref<32768xi32, #tpu.memory_space<vmem>>[vector<16xi32>], vector<16xi32>,
        %add3A_495 = arith.constant 1 : i32
        %add3A_496 = vector.broadcast %add3A_495 : i32 to vector<16xi32>
        %add3A_497 = arith.addi %sub3A_490, %add3A_496 : vector<16xi32>
        tpu.vector_store_idx %arg11[%and3A_471], %add3A_497 masked %unique3A_484 : memref<4096xi32, #tpu.memory_space<vmem>>[vector<16xi32>], vector<16xi32>, vector<16xi1>
        %scan3A_498 = arith.constant 6 : i32
        %scan3A_499 = arith.addi %scan3A_58, %scan3A_498 : i32
        %mul3A_500 = arith.constant 16 : i32
        %mul3A_501 = arith.muli %scan3A_499, %mul3A_500 : i32
        %get3A_502 = arith.index_cast %mul3A_501 : i32 to index
        %get3A_503 = tpu.vector_load %arg6[%get3A_502] {strides = array<i32>} : memref<32768xf32, #tpu.memory_space<vmem>>, vector<16xf32>,
        %mul3A_504 = arith.constant 16 : i32
        %mul3A_505 = arith.muli %scan3A_499, %mul3A_504 : i32
        %add3A_506 = arith.constant 16384 : i32
        %add3A_507 = arith.addi %add3A_506, %mul3A_505 : i32
        %get3A_508 = arith.index_cast %add3A_507 : i32 to index
        %get3A_509 = tpu.vector_load %arg6[%get3A_508] {strides = array<i32>} : memref<32768xf32, #tpu.memory_space<vmem>>, vector<16xf32>,
        %mul3A_510 = arith.constant 0x4B000000 : f32
        %mul3A_511 = vector.broadcast %mul3A_510 : f32 to vector<16xf32>
        %mul3A_512 = arith.mulf %get3A_503, %mul3A_511 : vector<16xf32>
        %convert_element_type3A_513 = arith.fptosi %mul3A_512 : vector<16xf32> to vector<16xi32>
        %mul3A_514 = arith.constant 0x4B000000 : f32
        %mul3A_515 = vector.broadcast %mul3A_514 : f32 to vector<16xf32>
        %mul3A_516 = arith.mulf %get3A_509, %mul3A_515 : vector<16xf32>
        %convert_element_type3A_517 = arith.fptosi %mul3A_516 : vector<16xf32> to vector<16xi32>
        %and3A_518 = arith.constant 4095 : i32
        %and3A_519 = vector.broadcast %and3A_518 : i32 to vector<16xi32>
        %and3A_520 = arith.andi %convert_element_type3A_513, %and3A_519 : vector<16xi32>
        %shift_right_arithmetic3A_521 = arith.constant 12 : i32
        %shift_right_arithmetic3A_522 = vector.broadcast %shift_right_arithmetic3A_521 : i32 to vector<16xi32>
        %shift_right_arithmetic3A_523 = arith.shrsi %convert_element_type3A_513, %shift_right_arithmetic3A_522 : vector<16xi32>
        %mul3A_524 = arith.constant 16 : i32
        %mul3A_525 = arith.muli %scan3A_499, %mul3A_524 : i32
        %add3A_526 = vector.broadcast %mul3A_525 : i32 to vector<16xi32>
        %add3A_527 = arith.addi %iota3A, %add3A_526 : vector<16xi32>
        %broadcast_in_dim3A_528 = arith.constant true
        %broadcast_in_dim3A_529 = vector.broadcast %broadcast_in_dim3A_528 : i1 to vector<16xi1>
        %unique3A_530, %unique3A_531 = tpu.scan_count mask(%broadcast_in_dim3A_529 : vector<16xi1>) value(%and3A_520 : vector<16xi32>) : vector<16xi1>, vector<16xi32>
        %gather3A_532 = tpu.vector_load_idx %arg10[%and3A_520] : memref<4096xi32, #tpu.memory_space<vmem>>[vector<16xi32>], vector<16xi32>,
        %add3A_533 = arith.addi %gather3A_532, %unique3A_531 : vector<16xi32>
        %sub3A_534 = arith.constant 1 : i32
        %sub3A_535 = vector.broadcast %sub3A_534 : i32 to vector<16xi32>
        %sub3A_536 = arith.subi %add3A_533, %sub3A_535 : vector<16xi32>
        %shift_left3A_537 = arith.constant 15 : i32
        %shift_left3A_538 = vector.broadcast %shift_left3A_537 : i32 to vector<16xi32>
        %shift_left3A_539 = arith.shli %shift_right_arithmetic3A_523, %shift_left3A_538 : vector<16xi32>
        %or3A_540 = arith.ori %shift_left3A_539, %add3A_527 : vector<16xi32>
        tpu.vector_store_idx %arg7[%sub3A_536], %or3A_540 : memref<32768xi32, #tpu.memory_space<vmem>>[vector<16xi32>], vector<16xi32>,
        %add3A_541 = arith.constant 1 : i32
        %add3A_542 = vector.broadcast %add3A_541 : i32 to vector<16xi32>
        %add3A_543 = arith.addi %sub3A_536, %add3A_542 : vector<16xi32>
        tpu.vector_store_idx %arg10[%and3A_520], %add3A_543 masked %unique3A_530 : memref<4096xi32, #tpu.memory_space<vmem>>[vector<16xi32>], vector<16xi32>, vector<16xi1>
        %and3A_544 = arith.constant 4095 : i32
        %and3A_545 = vector.broadcast %and3A_544 : i32 to vector<16xi32>
        %and3A_546 = arith.andi %convert_element_type3A_517, %and3A_545 : vector<16xi32>
        %shift_right_arithmetic3A_547 = arith.constant 12 : i32
        %shift_right_arithmetic3A_548 = vector.broadcast %shift_right_arithmetic3A_547 : i32 to vector<16xi32>
        %shift_right_arithmetic3A_549 = arith.shrsi %convert_element_type3A_517, %shift_right_arithmetic3A_548 : vector<16xi32>
        %add3A_550 = arith.constant 16384 : i32
        %add3A_551 = vector.broadcast %add3A_550 : i32 to vector<16xi32>
        %add3A_552 = arith.addi %iota3A, %add3A_551 : vector<16xi32>
        %mul3A_553 = arith.constant 16 : i32
        %mul3A_554 = arith.muli %scan3A_499, %mul3A_553 : i32
        %add3A_555 = vector.broadcast %mul3A_554 : i32 to vector<16xi32>
        %add3A_556 = arith.addi %add3A_552, %add3A_555 : vector<16xi32>
        %broadcast_in_dim3A_557 = arith.constant true
        %broadcast_in_dim3A_558 = vector.broadcast %broadcast_in_dim3A_557 : i1 to vector<16xi1>
        %unique3A_559, %unique3A_560 = tpu.scan_count mask(%broadcast_in_dim3A_558 : vector<16xi1>) value(%and3A_546 : vector<16xi32>) : vector<16xi1>, vector<16xi32>
        %gather3A_561 = tpu.vector_load_idx %arg11[%and3A_546] : memref<4096xi32, #tpu.memory_space<vmem>>[vector<16xi32>], vector<16xi32>,
        %add3A_562 = arith.addi %gather3A_561, %unique3A_560 : vector<16xi32>
        %sub3A_563 = arith.constant 1 : i32
        %sub3A_564 = vector.broadcast %sub3A_563 : i32 to vector<16xi32>
        %sub3A_565 = arith.subi %add3A_562, %sub3A_564 : vector<16xi32>
        %shift_left3A_566 = arith.constant 15 : i32
        %shift_left3A_567 = vector.broadcast %shift_left3A_566 : i32 to vector<16xi32>
        %shift_left3A_568 = arith.shli %shift_right_arithmetic3A_549, %shift_left3A_567 : vector<16xi32>
        %or3A_569 = arith.ori %shift_left3A_568, %add3A_556 : vector<16xi32>
        tpu.vector_store_idx %arg7[%sub3A_565], %or3A_569 : memref<32768xi32, #tpu.memory_space<vmem>>[vector<16xi32>], vector<16xi32>,
        %add3A_570 = arith.constant 1 : i32
        %add3A_571 = vector.broadcast %add3A_570 : i32 to vector<16xi32>
        %add3A_572 = arith.addi %sub3A_565, %add3A_571 : vector<16xi32>
        tpu.vector_store_idx %arg11[%and3A_546], %add3A_572 masked %unique3A_559 : memref<4096xi32, #tpu.memory_space<vmem>>[vector<16xi32>], vector<16xi32>, vector<16xi1>
        %scan3A_573 = arith.constant 7 : i32
        %scan3A_574 = arith.addi %scan3A_58, %scan3A_573 : i32
        %mul3A_575 = arith.constant 16 : i32
        %mul3A_576 = arith.muli %scan3A_574, %mul3A_575 : i32
        %get3A_577 = arith.index_cast %mul3A_576 : i32 to index
        %get3A_578 = tpu.vector_load %arg6[%get3A_577] {strides = array<i32>} : memref<32768xf32, #tpu.memory_space<vmem>>, vector<16xf32>,
        %mul3A_579 = arith.constant 16 : i32
        %mul3A_580 = arith.muli %scan3A_574, %mul3A_579 : i32
        %add3A_581 = arith.constant 16384 : i32
        %add3A_582 = arith.addi %add3A_581, %mul3A_580 : i32
        %get3A_583 = arith.index_cast %add3A_582 : i32 to index
        %get3A_584 = tpu.vector_load %arg6[%get3A_583] {strides = array<i32>} : memref<32768xf32, #tpu.memory_space<vmem>>, vector<16xf32>,
        %mul3A_585 = arith.constant 0x4B000000 : f32
        %mul3A_586 = vector.broadcast %mul3A_585 : f32 to vector<16xf32>
        %mul3A_587 = arith.mulf %get3A_578, %mul3A_586 : vector<16xf32>
        %convert_element_type3A_588 = arith.fptosi %mul3A_587 : vector<16xf32> to vector<16xi32>
        %mul3A_589 = arith.constant 0x4B000000 : f32
        %mul3A_590 = vector.broadcast %mul3A_589 : f32 to vector<16xf32>
        %mul3A_591 = arith.mulf %get3A_584, %mul3A_590 : vector<16xf32>
        %convert_element_type3A_592 = arith.fptosi %mul3A_591 : vector<16xf32> to vector<16xi32>
        %and3A_593 = arith.constant 4095 : i32
        %and3A_594 = vector.broadcast %and3A_593 : i32 to vector<16xi32>
        %and3A_595 = arith.andi %convert_element_type3A_588, %and3A_594 : vector<16xi32>
        %shift_right_arithmetic3A_596 = arith.constant 12 : i32
        %shift_right_arithmetic3A_597 = vector.broadcast %shift_right_arithmetic3A_596 : i32 to vector<16xi32>
        %shift_right_arithmetic3A_598 = arith.shrsi %convert_element_type3A_588, %shift_right_arithmetic3A_597 : vector<16xi32>
        %mul3A_599 = arith.constant 16 : i32
        %mul3A_600 = arith.muli %scan3A_574, %mul3A_599 : i32
        %add3A_601 = vector.broadcast %mul3A_600 : i32 to vector<16xi32>
        %add3A_602 = arith.addi %iota3A, %add3A_601 : vector<16xi32>
        %broadcast_in_dim3A_603 = arith.constant true
        %broadcast_in_dim3A_604 = vector.broadcast %broadcast_in_dim3A_603 : i1 to vector<16xi1>
        %unique3A_605, %unique3A_606 = tpu.scan_count mask(%broadcast_in_dim3A_604 : vector<16xi1>) value(%and3A_595 : vector<16xi32>) : vector<16xi1>, vector<16xi32>
        %gather3A_607 = tpu.vector_load_idx %arg10[%and3A_595] : memref<4096xi32, #tpu.memory_space<vmem>>[vector<16xi32>], vector<16xi32>,
        %add3A_608 = arith.addi %gather3A_607, %unique3A_606 : vector<16xi32>
        %sub3A_609 = arith.constant 1 : i32
        %sub3A_610 = vector.broadcast %sub3A_609 : i32 to vector<16xi32>
        %sub3A_611 = arith.subi %add3A_608, %sub3A_610 : vector<16xi32>
        %shift_left3A_612 = arith.constant 15 : i32
        %shift_left3A_613 = vector.broadcast %shift_left3A_612 : i32 to vector<16xi32>
        %shift_left3A_614 = arith.shli %shift_right_arithmetic3A_598, %shift_left3A_613 : vector<16xi32>
        %or3A_615 = arith.ori %shift_left3A_614, %add3A_602 : vector<16xi32>
        tpu.vector_store_idx %arg7[%sub3A_611], %or3A_615 : memref<32768xi32, #tpu.memory_space<vmem>>[vector<16xi32>], vector<16xi32>,
        %add3A_616 = arith.constant 1 : i32
        %add3A_617 = vector.broadcast %add3A_616 : i32 to vector<16xi32>
        %add3A_618 = arith.addi %sub3A_611, %add3A_617 : vector<16xi32>
        tpu.vector_store_idx %arg10[%and3A_595], %add3A_618 masked %unique3A_605 : memref<4096xi32, #tpu.memory_space<vmem>>[vector<16xi32>], vector<16xi32>, vector<16xi1>
        %and3A_619 = arith.constant 4095 : i32
        %and3A_620 = vector.broadcast %and3A_619 : i32 to vector<16xi32>
        %and3A_621 = arith.andi %convert_element_type3A_592, %and3A_620 : vector<16xi32>
        %shift_right_arithmetic3A_622 = arith.constant 12 : i32
        %shift_right_arithmetic3A_623 = vector.broadcast %shift_right_arithmetic3A_622 : i32 to vector<16xi32>
        %shift_right_arithmetic3A_624 = arith.shrsi %convert_element_type3A_592, %shift_right_arithmetic3A_623 : vector<16xi32>
        %add3A_625 = arith.constant 16384 : i32
        %add3A_626 = vector.broadcast %add3A_625 : i32 to vector<16xi32>
        %add3A_627 = arith.addi %iota3A, %add3A_626 : vector<16xi32>
        %mul3A_628 = arith.constant 16 : i32
        %mul3A_629 = arith.muli %scan3A_574, %mul3A_628 : i32
        %add3A_630 = vector.broadcast %mul3A_629 : i32 to vector<16xi32>
        %add3A_631 = arith.addi %add3A_627, %add3A_630 : vector<16xi32>
        %broadcast_in_dim3A_632 = arith.constant true
        %broadcast_in_dim3A_633 = vector.broadcast %broadcast_in_dim3A_632 : i1 to vector<16xi1>
        %unique3A_634, %unique3A_635 = tpu.scan_count mask(%broadcast_in_dim3A_633 : vector<16xi1>) value(%and3A_621 : vector<16xi32>) : vector<16xi1>, vector<16xi32>
        %gather3A_636 = tpu.vector_load_idx %arg11[%and3A_621] : memref<4096xi32, #tpu.memory_space<vmem>>[vector<16xi32>], vector<16xi32>,
        %add3A_637 = arith.addi %gather3A_636, %unique3A_635 : vector<16xi32>
        %sub3A_638 = arith.constant 1 : i32
        %sub3A_639 = vector.broadcast %sub3A_638 : i32 to vector<16xi32>
        %sub3A_640 = arith.subi %add3A_637, %sub3A_639 : vector<16xi32>
        %shift_left3A_641 = arith.constant 15 : i32
        %shift_left3A_642 = vector.broadcast %shift_left3A_641 : i32 to vector<16xi32>
        %shift_left3A_643 = arith.shli %shift_right_arithmetic3A_624, %shift_left3A_642 : vector<16xi32>
        %or3A_644 = arith.ori %shift_left3A_643, %add3A_631 : vector<16xi32>
        tpu.vector_store_idx %arg7[%sub3A_640], %or3A_644 : memref<32768xi32, #tpu.memory_space<vmem>>[vector<16xi32>], vector<16xi32>,
        %add3A_645 = arith.constant 1 : i32
        %add3A_646 = vector.broadcast %add3A_645 : i32 to vector<16xi32>
        %add3A_647 = arith.addi %sub3A_640, %add3A_646 : vector<16xi32>
        tpu.vector_store_idx %arg11[%and3A_621], %add3A_647 masked %unique3A_634 : memref<4096xi32, #tpu.memory_space<vmem>>[vector<16xi32>], vector<16xi32>, vector<16xi1>
      }
      %scan3A_38 = arith.constant 1024 : i32
      %scan3A_39 = arith.constant 0 : i32
      %scan3A_40 = arith.constant 0 : i32
      %scan3A_41 = arith.constant 1024 : i32
      %scan3A_42 = arith.addi %scan3A_40, %scan3A_41 : i32
      %scan3A_43 = arith.constant 4 : i32
      scf.for %scan3A_58 = %scan3A_40 to %scan3A_42 step %scan3A_43  : i32 {
        %mul3A_59 = arith.constant 16 : i32
        %mul3A_60 = arith.muli %scan3A_58, %mul3A_59 : i32
        %get3A = arith.index_cast %mul3A_60 : i32 to index
        %get3A_61 = tpu.vector_load %arg7[%get3A] {strides = array<i32>} : memref<32768xi32, #tpu.memory_space<vmem>>, vector<16xi32>,
        %mul3A_62 = arith.constant 16 : i32
        %mul3A_63 = arith.muli %scan3A_58, %mul3A_62 : i32
        %add3A_64 = arith.constant 16384 : i32
        %add3A_65 = arith.addi %add3A_64, %mul3A_63 : i32
        %get3A_66 = arith.index_cast %add3A_65 : i32 to index
        %get3A_67 = tpu.vector_load %arg7[%get3A_66] {strides = array<i32>} : memref<32768xi32, #tpu.memory_space<vmem>>, vector<16xi32>,
        %shift_right_arithmetic3A = arith.constant 15 : i32
        %shift_right_arithmetic3A_68 = vector.broadcast %shift_right_arithmetic3A : i32 to vector<16xi32>
        %shift_right_arithmetic3A_69 = arith.shrsi %get3A_61, %shift_right_arithmetic3A_68 : vector<16xi32>
        %shift_right_arithmetic3A_70 = arith.constant 15 : i32
        %shift_right_arithmetic3A_71 = vector.broadcast %shift_right_arithmetic3A_70 : i32 to vector<16xi32>
        %shift_right_arithmetic3A_72 = arith.shrsi %get3A_67, %shift_right_arithmetic3A_71 : vector<16xi32>
        %broadcast_in_dim3A_73 = arith.constant true
        %broadcast_in_dim3A_74 = vector.broadcast %broadcast_in_dim3A_73 : i1 to vector<16xi1>
        %unique3A, %unique3A_75 = tpu.scan_count mask(%broadcast_in_dim3A_74 : vector<16xi1>) value(%shift_right_arithmetic3A_69 : vector<16xi32>) : vector<16xi1>, vector<16xi32>
        tpu.vector_store_idx %arg12[%shift_right_arithmetic3A_69], %unique3A_75 masked %unique3A {add = true} : memref<2048xi32, #tpu.memory_space<vmem>>[vector<16xi32>], vector<16xi32>, vector<16xi1>
        %broadcast_in_dim3A_76 = arith.constant true
        %broadcast_in_dim3A_77 = vector.broadcast %broadcast_in_dim3A_76 : i1 to vector<16xi1>
        %unique3A_78, %unique3A_79 = tpu.scan_count mask(%broadcast_in_dim3A_77 : vector<16xi1>) value(%shift_right_arithmetic3A_72 : vector<16xi32>) : vector<16xi1>, vector<16xi32>
        tpu.vector_store_idx %arg13[%shift_right_arithmetic3A_72], %unique3A_79 masked %unique3A_78 {add = true} : memref<2048xi32, #tpu.memory_space<vmem>>[vector<16xi32>], vector<16xi32>, vector<16xi1>
        %scan3A_80 = arith.constant 1 : i32
        %scan3A_81 = arith.addi %scan3A_58, %scan3A_80 : i32
        %mul3A_82 = arith.constant 16 : i32
        %mul3A_83 = arith.muli %scan3A_81, %mul3A_82 : i32
        %get3A_84 = arith.index_cast %mul3A_83 : i32 to index
        %get3A_85 = tpu.vector_load %arg7[%get3A_84] {strides = array<i32>} : memref<32768xi32, #tpu.memory_space<vmem>>, vector<16xi32>,
        %mul3A_86 = arith.constant 16 : i32
        %mul3A_87 = arith.muli %scan3A_81, %mul3A_86 : i32
        %add3A_88 = arith.constant 16384 : i32
        %add3A_89 = arith.addi %add3A_88, %mul3A_87 : i32
        %get3A_90 = arith.index_cast %add3A_89 : i32 to index
        %get3A_91 = tpu.vector_load %arg7[%get3A_90] {strides = array<i32>} : memref<32768xi32, #tpu.memory_space<vmem>>, vector<16xi32>,
        %shift_right_arithmetic3A_92 = arith.constant 15 : i32
        %shift_right_arithmetic3A_93 = vector.broadcast %shift_right_arithmetic3A_92 : i32 to vector<16xi32>
        %shift_right_arithmetic3A_94 = arith.shrsi %get3A_85, %shift_right_arithmetic3A_93 : vector<16xi32>
        %shift_right_arithmetic3A_95 = arith.constant 15 : i32
        %shift_right_arithmetic3A_96 = vector.broadcast %shift_right_arithmetic3A_95 : i32 to vector<16xi32>
        %shift_right_arithmetic3A_97 = arith.shrsi %get3A_91, %shift_right_arithmetic3A_96 : vector<16xi32>
        %broadcast_in_dim3A_98 = arith.constant true
        %broadcast_in_dim3A_99 = vector.broadcast %broadcast_in_dim3A_98 : i1 to vector<16xi1>
        %unique3A_100, %unique3A_101 = tpu.scan_count mask(%broadcast_in_dim3A_99 : vector<16xi1>) value(%shift_right_arithmetic3A_94 : vector<16xi32>) : vector<16xi1>, vector<16xi32>
        tpu.vector_store_idx %arg12[%shift_right_arithmetic3A_94], %unique3A_101 masked %unique3A_100 {add = true} : memref<2048xi32, #tpu.memory_space<vmem>>[vector<16xi32>], vector<16xi32>, vector<16xi1>
        %broadcast_in_dim3A_102 = arith.constant true
        %broadcast_in_dim3A_103 = vector.broadcast %broadcast_in_dim3A_102 : i1 to vector<16xi1>
        %unique3A_104, %unique3A_105 = tpu.scan_count mask(%broadcast_in_dim3A_103 : vector<16xi1>) value(%shift_right_arithmetic3A_97 : vector<16xi32>) : vector<16xi1>, vector<16xi32>
        tpu.vector_store_idx %arg13[%shift_right_arithmetic3A_97], %unique3A_105 masked %unique3A_104 {add = true} : memref<2048xi32, #tpu.memory_space<vmem>>[vector<16xi32>], vector<16xi32>, vector<16xi1>
        %scan3A_106 = arith.constant 2 : i32
        %scan3A_107 = arith.addi %scan3A_58, %scan3A_106 : i32
        %mul3A_108 = arith.constant 16 : i32
        %mul3A_109 = arith.muli %scan3A_107, %mul3A_108 : i32
        %get3A_110 = arith.index_cast %mul3A_109 : i32 to index
        %get3A_111 = tpu.vector_load %arg7[%get3A_110] {strides = array<i32>} : memref<32768xi32, #tpu.memory_space<vmem>>, vector<16xi32>,
        %mul3A_112 = arith.constant 16 : i32
        %mul3A_113 = arith.muli %scan3A_107, %mul3A_112 : i32
        %add3A_114 = arith.constant 16384 : i32
        %add3A_115 = arith.addi %add3A_114, %mul3A_113 : i32
        %get3A_116 = arith.index_cast %add3A_115 : i32 to index
        %get3A_117 = tpu.vector_load %arg7[%get3A_116] {strides = array<i32>} : memref<32768xi32, #tpu.memory_space<vmem>>, vector<16xi32>,
        %shift_right_arithmetic3A_118 = arith.constant 15 : i32
        %shift_right_arithmetic3A_119 = vector.broadcast %shift_right_arithmetic3A_118 : i32 to vector<16xi32>
        %shift_right_arithmetic3A_120 = arith.shrsi %get3A_111, %shift_right_arithmetic3A_119 : vector<16xi32>
        %shift_right_arithmetic3A_121 = arith.constant 15 : i32
        %shift_right_arithmetic3A_122 = vector.broadcast %shift_right_arithmetic3A_121 : i32 to vector<16xi32>
        %shift_right_arithmetic3A_123 = arith.shrsi %get3A_117, %shift_right_arithmetic3A_122 : vector<16xi32>
        %broadcast_in_dim3A_124 = arith.constant true
        %broadcast_in_dim3A_125 = vector.broadcast %broadcast_in_dim3A_124 : i1 to vector<16xi1>
        %unique3A_126, %unique3A_127 = tpu.scan_count mask(%broadcast_in_dim3A_125 : vector<16xi1>) value(%shift_right_arithmetic3A_120 : vector<16xi32>) : vector<16xi1>, vector<16xi32>
        tpu.vector_store_idx %arg12[%shift_right_arithmetic3A_120], %unique3A_127 masked %unique3A_126 {add = true} : memref<2048xi32, #tpu.memory_space<vmem>>[vector<16xi32>], vector<16xi32>, vector<16xi1>
        %broadcast_in_dim3A_128 = arith.constant true
        %broadcast_in_dim3A_129 = vector.broadcast %broadcast_in_dim3A_128 : i1 to vector<16xi1>
        %unique3A_130, %unique3A_131 = tpu.scan_count mask(%broadcast_in_dim3A_129 : vector<16xi1>) value(%shift_right_arithmetic3A_123 : vector<16xi32>) : vector<16xi1>, vector<16xi32>
        tpu.vector_store_idx %arg13[%shift_right_arithmetic3A_123], %unique3A_131 masked %unique3A_130 {add = true} : memref<2048xi32, #tpu.memory_space<vmem>>[vector<16xi32>], vector<16xi32>, vector<16xi1>
        %scan3A_132 = arith.constant 3 : i32
        %scan3A_133 = arith.addi %scan3A_58, %scan3A_132 : i32
        %mul3A_134 = arith.constant 16 : i32
        %mul3A_135 = arith.muli %scan3A_133, %mul3A_134 : i32
        %get3A_136 = arith.index_cast %mul3A_135 : i32 to index
        %get3A_137 = tpu.vector_load %arg7[%get3A_136] {strides = array<i32>} : memref<32768xi32, #tpu.memory_space<vmem>>, vector<16xi32>,
        %mul3A_138 = arith.constant 16 : i32
        %mul3A_139 = arith.muli %scan3A_133, %mul3A_138 : i32
        %add3A_140 = arith.constant 16384 : i32
        %add3A_141 = arith.addi %add3A_140, %mul3A_139 : i32
        %get3A_142 = arith.index_cast %add3A_141 : i32 to index
        %get3A_143 = tpu.vector_load %arg7[%get3A_142] {strides = array<i32>} : memref<32768xi32, #tpu.memory_space<vmem>>, vector<16xi32>,
        %shift_right_arithmetic3A_144 = arith.constant 15 : i32
        %shift_right_arithmetic3A_145 = vector.broadcast %shift_right_arithmetic3A_144 : i32 to vector<16xi32>
        %shift_right_arithmetic3A_146 = arith.shrsi %get3A_137, %shift_right_arithmetic3A_145 : vector<16xi32>
        %shift_right_arithmetic3A_147 = arith.constant 15 : i32
        %shift_right_arithmetic3A_148 = vector.broadcast %shift_right_arithmetic3A_147 : i32 to vector<16xi32>
        %shift_right_arithmetic3A_149 = arith.shrsi %get3A_143, %shift_right_arithmetic3A_148 : vector<16xi32>
        %broadcast_in_dim3A_150 = arith.constant true
        %broadcast_in_dim3A_151 = vector.broadcast %broadcast_in_dim3A_150 : i1 to vector<16xi1>
        %unique3A_152, %unique3A_153 = tpu.scan_count mask(%broadcast_in_dim3A_151 : vector<16xi1>) value(%shift_right_arithmetic3A_146 : vector<16xi32>) : vector<16xi1>, vector<16xi32>
        tpu.vector_store_idx %arg12[%shift_right_arithmetic3A_146], %unique3A_153 masked %unique3A_152 {add = true} : memref<2048xi32, #tpu.memory_space<vmem>>[vector<16xi32>], vector<16xi32>, vector<16xi1>
        %broadcast_in_dim3A_154 = arith.constant true
        %broadcast_in_dim3A_155 = vector.broadcast %broadcast_in_dim3A_154 : i1 to vector<16xi1>
        %unique3A_156, %unique3A_157 = tpu.scan_count mask(%broadcast_in_dim3A_155 : vector<16xi1>) value(%shift_right_arithmetic3A_149 : vector<16xi32>) : vector<16xi1>, vector<16xi32>
        tpu.vector_store_idx %arg13[%shift_right_arithmetic3A_149], %unique3A_157 masked %unique3A_156 {add = true} : memref<2048xi32, #tpu.memory_space<vmem>>[vector<16xi32>], vector<16xi32>, vector<16xi1>
      }
      %scan3A_44 = arith.constant 1024 : i32
      %scan3A_45 = arith.constant 0 : i32
      %scan3A_46 = arith.constant 0 : i32
      %scan3A_47 = arith.constant 128 : i32
      %scan3A_48 = arith.addi %scan3A_46, %scan3A_47 : i32
      %scan3A_49 = arith.constant 1 : i32
      %scan3A_50 = scf.for %scan3A_58 = %scan3A_46 to %scan3A_48 step %scan3A_49 iter_args(%scan3A_59 = %scan3A_45) -> (i32)  : i32 {
        %mul3A_60 = arith.constant 16 : i32
        %mul3A_61 = arith.muli %scan3A_58, %mul3A_60 : i32
        %get3A = arith.index_cast %mul3A_61 : i32 to index
        %get3A_62 = tpu.vector_load %arg12[%get3A] {strides = array<i32>} : memref<2048xi32, #tpu.memory_space<vmem>>, vector<16xi32>,
        %mul3A_63 = arith.constant 16 : i32
        %mul3A_64 = arith.muli %scan3A_58, %mul3A_63 : i32
        %get3A_65 = arith.index_cast %mul3A_64 : i32 to index
        %get3A_66 = tpu.vector_load %arg13[%get3A_65] {strides = array<i32>} : memref<2048xi32, #tpu.memory_space<vmem>>, vector<16xi32>,
        %add3A_67 = arith.addi %get3A_62, %get3A_66 : vector<16xi32>
        %broadcast_in_dim3A_68 = arith.constant true
        %broadcast_in_dim3A_69 = vector.broadcast %broadcast_in_dim3A_68 : i1 to vector<16xi1>
        %masked_cumsum3A = tpu.scan <sum>, %add3A_67 masked %broadcast_in_dim3A_69 : vector<16xi32>, vector<16xi1> -> vector<16xi32>
        %sub3A = arith.subi %masked_cumsum3A, %add3A_67 : vector<16xi32>
        %add3A_70 = vector.broadcast %scan3A_59 : i32 to vector<16xi32>
        %add3A_71 = arith.addi %sub3A, %add3A_70 : vector<16xi32>
        %mul3A_72 = arith.constant 16 : i32
        %mul3A_73 = arith.muli %scan3A_58, %mul3A_72 : i32
        %swap3A = arith.index_cast %mul3A_73 : i32 to index
        %swap3A_74 = tpu.vector_load %arg12[%swap3A] {strides = array<i32>} : memref<2048xi32, #tpu.memory_space<vmem>>, vector<16xi32>,
        tpu.vector_store %arg12[%swap3A], %add3A_71 {strides = array<i32>} : memref<2048xi32, #tpu.memory_space<vmem>>, vector<16xi32>,
        %add3A_75 = arith.addi %add3A_71, %get3A_62 : vector<16xi32>
        %mul3A_76 = arith.constant 16 : i32
        %mul3A_77 = arith.muli %scan3A_58, %mul3A_76 : i32
        %swap3A_78 = arith.index_cast %mul3A_77 : i32 to index
        %swap3A_79 = tpu.vector_load %arg13[%swap3A_78] {strides = array<i32>} : memref<2048xi32, #tpu.memory_space<vmem>>, vector<16xi32>,
        tpu.vector_store %arg13[%swap3A_78], %add3A_75 {strides = array<i32>} : memref<2048xi32, #tpu.memory_space<vmem>>, vector<16xi32>,
        %reduce_sum3A = arith.constant true
        %reduce_sum3A_80 = vector.broadcast %reduce_sum3A : i1 to vector<16xi1>
        %reduce_sum3A_81 = tpu.scan <sum>, %add3A_67 masked %reduce_sum3A_80 : vector<16xi32>, vector<16xi1> -> vector<16xi32>
        %reduce_sum3A_82 = vector.extract %reduce_sum3A_81[15] : i32 from vector<16xi32>
        %add3A_83 = arith.addi %scan3A_59, %reduce_sum3A_82 : i32
        scf.yield %add3A_83 : i32
      }
      %scan3A_51 = arith.constant 128 : i32
      %scan3A_52 = arith.constant 0 : i32
      %scan3A_53 = arith.constant 0 : i32
      %scan3A_54 = arith.constant 1024 : i32
      %scan3A_55 = arith.addi %scan3A_53, %scan3A_54 : i32
      %scan3A_56 = arith.constant 8 : i32
      scf.for %scan3A_58 = %scan3A_53 to %scan3A_55 step %scan3A_56  : i32 {
        %mul3A_59 = arith.constant 16 : i32
        %mul3A_60 = arith.muli %scan3A_58, %mul3A_59 : i32
        %get3A = arith.index_cast %mul3A_60 : i32 to index
        %get3A_61 = tpu.vector_load %arg7[%get3A] {strides = array<i32>} : memref<32768xi32, #tpu.memory_space<vmem>>, vector<16xi32>,
        %shift_right_arithmetic3A = arith.constant 15 : i32
        %shift_right_arithmetic3A_62 = vector.broadcast %shift_right_arithmetic3A : i32 to vector<16xi32>
        %shift_right_arithmetic3A_63 = arith.shrsi %get3A_61, %shift_right_arithmetic3A_62 : vector<16xi32>
        %and3A = arith.constant 32767 : i32
        %and3A_64 = vector.broadcast %and3A : i32 to vector<16xi32>
        %and3A_65 = arith.andi %get3A_61, %and3A_64 : vector<16xi32>
        %broadcast_in_dim3A_66 = arith.constant true
        %broadcast_in_dim3A_67 = vector.broadcast %broadcast_in_dim3A_66 : i1 to vector<16xi1>
        %unique3A, %unique3A_68 = tpu.scan_count mask(%broadcast_in_dim3A_67 : vector<16xi1>) value(%shift_right_arithmetic3A_63 : vector<16xi32>) : vector<16xi1>, vector<16xi32>
        %gather3A = tpu.vector_load_idx %arg12[%shift_right_arithmetic3A_63] : memref<2048xi32, #tpu.memory_space<vmem>>[vector<16xi32>], vector<16xi32>,
        %add3A_69 = arith.addi %gather3A, %unique3A_68 : vector<16xi32>
        %sub3A = arith.constant 1 : i32
        %sub3A_70 = vector.broadcast %sub3A : i32 to vector<16xi32>
        %sub3A_71 = arith.subi %add3A_69, %sub3A_70 : vector<16xi32>
        tpu.vector_store_idx %arg8[%and3A_65], %sub3A_71 : memref<32768xi32, #tpu.memory_space<vmem>>[vector<16xi32>], vector<16xi32>,
        %lt3A = arith.constant 16384 : i32
        %lt3A_72 = vector.broadcast %lt3A : i32 to vector<16xi32>
        %lt3A_73 = arith.cmpi slt, %sub3A_71, %lt3A_72 : vector<16xi32>
        tpu.vector_store_idx %arg9[%sub3A_71], %and3A_65 masked %lt3A_73 : memref<16384xi32, #tpu.memory_space<vmem>>[vector<16xi32>], vector<16xi32>, vector<16xi1>
        %ge3A = arith.constant 16384 : i32
        %ge3A_74 = vector.broadcast %ge3A : i32 to vector<16xi32>
        %ge3A_75 = arith.cmpi sge, %sub3A_71, %ge3A_74 : vector<16xi32>
        %select_n3A = arith.select %ge3A_75, %broadcast_in_dim3A_12, %broadcast_in_dim3A_14 : vector<16xi1>, vector<16xf32>
        tpu.vector_store_idx %arg6[%and3A_65], %select_n3A : memref<32768xf32, #tpu.memory_space<vmem>>[vector<16xi32>], vector<16xf32>,
        %add3A_76 = arith.constant 1 : i32
        %add3A_77 = vector.broadcast %add3A_76 : i32 to vector<16xi32>
        %add3A_78 = arith.addi %sub3A_71, %add3A_77 : vector<16xi32>
        tpu.vector_store_idx %arg12[%shift_right_arithmetic3A_63], %add3A_78 masked %unique3A : memref<2048xi32, #tpu.memory_space<vmem>>[vector<16xi32>], vector<16xi32>, vector<16xi1>
        %mul3A_79 = arith.constant 16 : i32
        %mul3A_80 = arith.muli %scan3A_58, %mul3A_79 : i32
        %add3A_81 = arith.constant 16384 : i32
        %add3A_82 = arith.addi %add3A_81, %mul3A_80 : i32
        %get3A_83 = arith.index_cast %add3A_82 : i32 to index
        %get3A_84 = tpu.vector_load %arg7[%get3A_83] {strides = array<i32>} : memref<32768xi32, #tpu.memory_space<vmem>>, vector<16xi32>,
        %shift_right_arithmetic3A_85 = arith.constant 15 : i32
        %shift_right_arithmetic3A_86 = vector.broadcast %shift_right_arithmetic3A_85 : i32 to vector<16xi32>
        %shift_right_arithmetic3A_87 = arith.shrsi %get3A_84, %shift_right_arithmetic3A_86 : vector<16xi32>
        %and3A_88 = arith.constant 32767 : i32
        %and3A_89 = vector.broadcast %and3A_88 : i32 to vector<16xi32>
        %and3A_90 = arith.andi %get3A_84, %and3A_89 : vector<16xi32>
        %broadcast_in_dim3A_91 = arith.constant true
        %broadcast_in_dim3A_92 = vector.broadcast %broadcast_in_dim3A_91 : i1 to vector<16xi1>
        %unique3A_93, %unique3A_94 = tpu.scan_count mask(%broadcast_in_dim3A_92 : vector<16xi1>) value(%shift_right_arithmetic3A_87 : vector<16xi32>) : vector<16xi1>, vector<16xi32>
        %gather3A_95 = tpu.vector_load_idx %arg13[%shift_right_arithmetic3A_87] : memref<2048xi32, #tpu.memory_space<vmem>>[vector<16xi32>], vector<16xi32>,
        %add3A_96 = arith.addi %gather3A_95, %unique3A_94 : vector<16xi32>
        %sub3A_97 = arith.constant 1 : i32
        %sub3A_98 = vector.broadcast %sub3A_97 : i32 to vector<16xi32>
        %sub3A_99 = arith.subi %add3A_96, %sub3A_98 : vector<16xi32>
        tpu.vector_store_idx %arg8[%and3A_90], %sub3A_99 : memref<32768xi32, #tpu.memory_space<vmem>>[vector<16xi32>], vector<16xi32>,
        %lt3A_100 = arith.constant 16384 : i32
        %lt3A_101 = vector.broadcast %lt3A_100 : i32 to vector<16xi32>
        %lt3A_102 = arith.cmpi slt, %sub3A_99, %lt3A_101 : vector<16xi32>
        tpu.vector_store_idx %arg9[%sub3A_99], %and3A_90 masked %lt3A_102 : memref<16384xi32, #tpu.memory_space<vmem>>[vector<16xi32>], vector<16xi32>, vector<16xi1>
        %ge3A_103 = arith.constant 16384 : i32
        %ge3A_104 = vector.broadcast %ge3A_103 : i32 to vector<16xi32>
        %ge3A_105 = arith.cmpi sge, %sub3A_99, %ge3A_104 : vector<16xi32>
        %select_n3A_106 = arith.select %ge3A_105, %broadcast_in_dim3A_12, %broadcast_in_dim3A_14 : vector<16xi1>, vector<16xf32>
        tpu.vector_store_idx %arg6[%and3A_90], %select_n3A_106 : memref<32768xf32, #tpu.memory_space<vmem>>[vector<16xi32>], vector<16xf32>,
        %add3A_107 = arith.constant 1 : i32
        %add3A_108 = vector.broadcast %add3A_107 : i32 to vector<16xi32>
        %add3A_109 = arith.addi %sub3A_99, %add3A_108 : vector<16xi32>
        tpu.vector_store_idx %arg13[%shift_right_arithmetic3A_87], %add3A_109 masked %unique3A_93 : memref<2048xi32, #tpu.memory_space<vmem>>[vector<16xi32>], vector<16xi32>, vector<16xi1>
        %scan3A_110 = arith.constant 1 : i32
        %scan3A_111 = arith.addi %scan3A_58, %scan3A_110 : i32
        %mul3A_112 = arith.constant 16 : i32
        %mul3A_113 = arith.muli %scan3A_111, %mul3A_112 : i32
        %get3A_114 = arith.index_cast %mul3A_113 : i32 to index
        %get3A_115 = tpu.vector_load %arg7[%get3A_114] {strides = array<i32>} : memref<32768xi32, #tpu.memory_space<vmem>>, vector<16xi32>,
        %shift_right_arithmetic3A_116 = arith.constant 15 : i32
        %shift_right_arithmetic3A_117 = vector.broadcast %shift_right_arithmetic3A_116 : i32 to vector<16xi32>
        %shift_right_arithmetic3A_118 = arith.shrsi %get3A_115, %shift_right_arithmetic3A_117 : vector<16xi32>
        %and3A_119 = arith.constant 32767 : i32
        %and3A_120 = vector.broadcast %and3A_119 : i32 to vector<16xi32>
        %and3A_121 = arith.andi %get3A_115, %and3A_120 : vector<16xi32>
        %broadcast_in_dim3A_122 = arith.constant true
        %broadcast_in_dim3A_123 = vector.broadcast %broadcast_in_dim3A_122 : i1 to vector<16xi1>
        %unique3A_124, %unique3A_125 = tpu.scan_count mask(%broadcast_in_dim3A_123 : vector<16xi1>) value(%shift_right_arithmetic3A_118 : vector<16xi32>) : vector<16xi1>, vector<16xi32>
        %gather3A_126 = tpu.vector_load_idx %arg12[%shift_right_arithmetic3A_118] : memref<2048xi32, #tpu.memory_space<vmem>>[vector<16xi32>], vector<16xi32>,
        %add3A_127 = arith.addi %gather3A_126, %unique3A_125 : vector<16xi32>
        %sub3A_128 = arith.constant 1 : i32
        %sub3A_129 = vector.broadcast %sub3A_128 : i32 to vector<16xi32>
        %sub3A_130 = arith.subi %add3A_127, %sub3A_129 : vector<16xi32>
        tpu.vector_store_idx %arg8[%and3A_121], %sub3A_130 : memref<32768xi32, #tpu.memory_space<vmem>>[vector<16xi32>], vector<16xi32>,
        %lt3A_131 = arith.constant 16384 : i32
        %lt3A_132 = vector.broadcast %lt3A_131 : i32 to vector<16xi32>
        %lt3A_133 = arith.cmpi slt, %sub3A_130, %lt3A_132 : vector<16xi32>
        tpu.vector_store_idx %arg9[%sub3A_130], %and3A_121 masked %lt3A_133 : memref<16384xi32, #tpu.memory_space<vmem>>[vector<16xi32>], vector<16xi32>, vector<16xi1>
        %ge3A_134 = arith.constant 16384 : i32
        %ge3A_135 = vector.broadcast %ge3A_134 : i32 to vector<16xi32>
        %ge3A_136 = arith.cmpi sge, %sub3A_130, %ge3A_135 : vector<16xi32>
        %select_n3A_137 = arith.select %ge3A_136, %broadcast_in_dim3A_12, %broadcast_in_dim3A_14 : vector<16xi1>, vector<16xf32>
        tpu.vector_store_idx %arg6[%and3A_121], %select_n3A_137 : memref<32768xf32, #tpu.memory_space<vmem>>[vector<16xi32>], vector<16xf32>,
        %add3A_138 = arith.constant 1 : i32
        %add3A_139 = vector.broadcast %add3A_138 : i32 to vector<16xi32>
        %add3A_140 = arith.addi %sub3A_130, %add3A_139 : vector<16xi32>
        tpu.vector_store_idx %arg12[%shift_right_arithmetic3A_118], %add3A_140 masked %unique3A_124 : memref<2048xi32, #tpu.memory_space<vmem>>[vector<16xi32>], vector<16xi32>, vector<16xi1>
        %mul3A_141 = arith.constant 16 : i32
        %mul3A_142 = arith.muli %scan3A_111, %mul3A_141 : i32
        %add3A_143 = arith.constant 16384 : i32
        %add3A_144 = arith.addi %add3A_143, %mul3A_142 : i32
        %get3A_145 = arith.index_cast %add3A_144 : i32 to index
        %get3A_146 = tpu.vector_load %arg7[%get3A_145] {strides = array<i32>} : memref<32768xi32, #tpu.memory_space<vmem>>, vector<16xi32>,
        %shift_right_arithmetic3A_147 = arith.constant 15 : i32
        %shift_right_arithmetic3A_148 = vector.broadcast %shift_right_arithmetic3A_147 : i32 to vector<16xi32>
        %shift_right_arithmetic3A_149 = arith.shrsi %get3A_146, %shift_right_arithmetic3A_148 : vector<16xi32>
        %and3A_150 = arith.constant 32767 : i32
        %and3A_151 = vector.broadcast %and3A_150 : i32 to vector<16xi32>
        %and3A_152 = arith.andi %get3A_146, %and3A_151 : vector<16xi32>
        %broadcast_in_dim3A_153 = arith.constant true
        %broadcast_in_dim3A_154 = vector.broadcast %broadcast_in_dim3A_153 : i1 to vector<16xi1>
        %unique3A_155, %unique3A_156 = tpu.scan_count mask(%broadcast_in_dim3A_154 : vector<16xi1>) value(%shift_right_arithmetic3A_149 : vector<16xi32>) : vector<16xi1>, vector<16xi32>
        %gather3A_157 = tpu.vector_load_idx %arg13[%shift_right_arithmetic3A_149] : memref<2048xi32, #tpu.memory_space<vmem>>[vector<16xi32>], vector<16xi32>,
        %add3A_158 = arith.addi %gather3A_157, %unique3A_156 : vector<16xi32>
        %sub3A_159 = arith.constant 1 : i32
        %sub3A_160 = vector.broadcast %sub3A_159 : i32 to vector<16xi32>
        %sub3A_161 = arith.subi %add3A_158, %sub3A_160 : vector<16xi32>
        tpu.vector_store_idx %arg8[%and3A_152], %sub3A_161 : memref<32768xi32, #tpu.memory_space<vmem>>[vector<16xi32>], vector<16xi32>,
        %lt3A_162 = arith.constant 16384 : i32
        %lt3A_163 = vector.broadcast %lt3A_162 : i32 to vector<16xi32>
        %lt3A_164 = arith.cmpi slt, %sub3A_161, %lt3A_163 : vector<16xi32>
        tpu.vector_store_idx %arg9[%sub3A_161], %and3A_152 masked %lt3A_164 : memref<16384xi32, #tpu.memory_space<vmem>>[vector<16xi32>], vector<16xi32>, vector<16xi1>
        %ge3A_165 = arith.constant 16384 : i32
        %ge3A_166 = vector.broadcast %ge3A_165 : i32 to vector<16xi32>
        %ge3A_167 = arith.cmpi sge, %sub3A_161, %ge3A_166 : vector<16xi32>
        %select_n3A_168 = arith.select %ge3A_167, %broadcast_in_dim3A_12, %broadcast_in_dim3A_14 : vector<16xi1>, vector<16xf32>
        tpu.vector_store_idx %arg6[%and3A_152], %select_n3A_168 : memref<32768xf32, #tpu.memory_space<vmem>>[vector<16xi32>], vector<16xf32>,
        %add3A_169 = arith.constant 1 : i32
        %add3A_170 = vector.broadcast %add3A_169 : i32 to vector<16xi32>
        %add3A_171 = arith.addi %sub3A_161, %add3A_170 : vector<16xi32>
        tpu.vector_store_idx %arg13[%shift_right_arithmetic3A_149], %add3A_171 masked %unique3A_155 : memref<2048xi32, #tpu.memory_space<vmem>>[vector<16xi32>], vector<16xi32>, vector<16xi1>
        %scan3A_172 = arith.constant 2 : i32
        %scan3A_173 = arith.addi %scan3A_58, %scan3A_172 : i32
        %mul3A_174 = arith.constant 16 : i32
        %mul3A_175 = arith.muli %scan3A_173, %mul3A_174 : i32
        %get3A_176 = arith.index_cast %mul3A_175 : i32 to index
        %get3A_177 = tpu.vector_load %arg7[%get3A_176] {strides = array<i32>} : memref<32768xi32, #tpu.memory_space<vmem>>, vector<16xi32>,
        %shift_right_arithmetic3A_178 = arith.constant 15 : i32
        %shift_right_arithmetic3A_179 = vector.broadcast %shift_right_arithmetic3A_178 : i32 to vector<16xi32>
        %shift_right_arithmetic3A_180 = arith.shrsi %get3A_177, %shift_right_arithmetic3A_179 : vector<16xi32>
        %and3A_181 = arith.constant 32767 : i32
        %and3A_182 = vector.broadcast %and3A_181 : i32 to vector<16xi32>
        %and3A_183 = arith.andi %get3A_177, %and3A_182 : vector<16xi32>
        %broadcast_in_dim3A_184 = arith.constant true
        %broadcast_in_dim3A_185 = vector.broadcast %broadcast_in_dim3A_184 : i1 to vector<16xi1>
        %unique3A_186, %unique3A_187 = tpu.scan_count mask(%broadcast_in_dim3A_185 : vector<16xi1>) value(%shift_right_arithmetic3A_180 : vector<16xi32>) : vector<16xi1>, vector<16xi32>
        %gather3A_188 = tpu.vector_load_idx %arg12[%shift_right_arithmetic3A_180] : memref<2048xi32, #tpu.memory_space<vmem>>[vector<16xi32>], vector<16xi32>,
        %add3A_189 = arith.addi %gather3A_188, %unique3A_187 : vector<16xi32>
        %sub3A_190 = arith.constant 1 : i32
        %sub3A_191 = vector.broadcast %sub3A_190 : i32 to vector<16xi32>
        %sub3A_192 = arith.subi %add3A_189, %sub3A_191 : vector<16xi32>
        tpu.vector_store_idx %arg8[%and3A_183], %sub3A_192 : memref<32768xi32, #tpu.memory_space<vmem>>[vector<16xi32>], vector<16xi32>,
        %lt3A_193 = arith.constant 16384 : i32
        %lt3A_194 = vector.broadcast %lt3A_193 : i32 to vector<16xi32>
        %lt3A_195 = arith.cmpi slt, %sub3A_192, %lt3A_194 : vector<16xi32>
        tpu.vector_store_idx %arg9[%sub3A_192], %and3A_183 masked %lt3A_195 : memref<16384xi32, #tpu.memory_space<vmem>>[vector<16xi32>], vector<16xi32>, vector<16xi1>
        %ge3A_196 = arith.constant 16384 : i32
        %ge3A_197 = vector.broadcast %ge3A_196 : i32 to vector<16xi32>
        %ge3A_198 = arith.cmpi sge, %sub3A_192, %ge3A_197 : vector<16xi32>
        %select_n3A_199 = arith.select %ge3A_198, %broadcast_in_dim3A_12, %broadcast_in_dim3A_14 : vector<16xi1>, vector<16xf32>
        tpu.vector_store_idx %arg6[%and3A_183], %select_n3A_199 : memref<32768xf32, #tpu.memory_space<vmem>>[vector<16xi32>], vector<16xf32>,
        %add3A_200 = arith.constant 1 : i32
        %add3A_201 = vector.broadcast %add3A_200 : i32 to vector<16xi32>
        %add3A_202 = arith.addi %sub3A_192, %add3A_201 : vector<16xi32>
        tpu.vector_store_idx %arg12[%shift_right_arithmetic3A_180], %add3A_202 masked %unique3A_186 : memref<2048xi32, #tpu.memory_space<vmem>>[vector<16xi32>], vector<16xi32>, vector<16xi1>
        %mul3A_203 = arith.constant 16 : i32
        %mul3A_204 = arith.muli %scan3A_173, %mul3A_203 : i32
        %add3A_205 = arith.constant 16384 : i32
        %add3A_206 = arith.addi %add3A_205, %mul3A_204 : i32
        %get3A_207 = arith.index_cast %add3A_206 : i32 to index
        %get3A_208 = tpu.vector_load %arg7[%get3A_207] {strides = array<i32>} : memref<32768xi32, #tpu.memory_space<vmem>>, vector<16xi32>,
        %shift_right_arithmetic3A_209 = arith.constant 15 : i32
        %shift_right_arithmetic3A_210 = vector.broadcast %shift_right_arithmetic3A_209 : i32 to vector<16xi32>
        %shift_right_arithmetic3A_211 = arith.shrsi %get3A_208, %shift_right_arithmetic3A_210 : vector<16xi32>
        %and3A_212 = arith.constant 32767 : i32
        %and3A_213 = vector.broadcast %and3A_212 : i32 to vector<16xi32>
        %and3A_214 = arith.andi %get3A_208, %and3A_213 : vector<16xi32>
        %broadcast_in_dim3A_215 = arith.constant true
        %broadcast_in_dim3A_216 = vector.broadcast %broadcast_in_dim3A_215 : i1 to vector<16xi1>
        %unique3A_217, %unique3A_218 = tpu.scan_count mask(%broadcast_in_dim3A_216 : vector<16xi1>) value(%shift_right_arithmetic3A_211 : vector<16xi32>) : vector<16xi1>, vector<16xi32>
        %gather3A_219 = tpu.vector_load_idx %arg13[%shift_right_arithmetic3A_211] : memref<2048xi32, #tpu.memory_space<vmem>>[vector<16xi32>], vector<16xi32>,
        %add3A_220 = arith.addi %gather3A_219, %unique3A_218 : vector<16xi32>
        %sub3A_221 = arith.constant 1 : i32
        %sub3A_222 = vector.broadcast %sub3A_221 : i32 to vector<16xi32>
        %sub3A_223 = arith.subi %add3A_220, %sub3A_222 : vector<16xi32>
        tpu.vector_store_idx %arg8[%and3A_214], %sub3A_223 : memref<32768xi32, #tpu.memory_space<vmem>>[vector<16xi32>], vector<16xi32>,
        %lt3A_224 = arith.constant 16384 : i32
        %lt3A_225 = vector.broadcast %lt3A_224 : i32 to vector<16xi32>
        %lt3A_226 = arith.cmpi slt, %sub3A_223, %lt3A_225 : vector<16xi32>
        tpu.vector_store_idx %arg9[%sub3A_223], %and3A_214 masked %lt3A_226 : memref<16384xi32, #tpu.memory_space<vmem>>[vector<16xi32>], vector<16xi32>, vector<16xi1>
        %ge3A_227 = arith.constant 16384 : i32
        %ge3A_228 = vector.broadcast %ge3A_227 : i32 to vector<16xi32>
        %ge3A_229 = arith.cmpi sge, %sub3A_223, %ge3A_228 : vector<16xi32>
        %select_n3A_230 = arith.select %ge3A_229, %broadcast_in_dim3A_12, %broadcast_in_dim3A_14 : vector<16xi1>, vector<16xf32>
        tpu.vector_store_idx %arg6[%and3A_214], %select_n3A_230 : memref<32768xf32, #tpu.memory_space<vmem>>[vector<16xi32>], vector<16xf32>,
        %add3A_231 = arith.constant 1 : i32
        %add3A_232 = vector.broadcast %add3A_231 : i32 to vector<16xi32>
        %add3A_233 = arith.addi %sub3A_223, %add3A_232 : vector<16xi32>
        tpu.vector_store_idx %arg13[%shift_right_arithmetic3A_211], %add3A_233 masked %unique3A_217 : memref<2048xi32, #tpu.memory_space<vmem>>[vector<16xi32>], vector<16xi32>, vector<16xi1>
        %scan3A_234 = arith.constant 3 : i32
        %scan3A_235 = arith.addi %scan3A_58, %scan3A_234 : i32
        %mul3A_236 = arith.constant 16 : i32
        %mul3A_237 = arith.muli %scan3A_235, %mul3A_236 : i32
        %get3A_238 = arith.index_cast %mul3A_237 : i32 to index
        %get3A_239 = tpu.vector_load %arg7[%get3A_238] {strides = array<i32>} : memref<32768xi32, #tpu.memory_space<vmem>>, vector<16xi32>,
        %shift_right_arithmetic3A_240 = arith.constant 15 : i32
        %shift_right_arithmetic3A_241 = vector.broadcast %shift_right_arithmetic3A_240 : i32 to vector<16xi32>
        %shift_right_arithmetic3A_242 = arith.shrsi %get3A_239, %shift_right_arithmetic3A_241 : vector<16xi32>
        %and3A_243 = arith.constant 32767 : i32
        %and3A_244 = vector.broadcast %and3A_243 : i32 to vector<16xi32>
        %and3A_245 = arith.andi %get3A_239, %and3A_244 : vector<16xi32>
        %broadcast_in_dim3A_246 = arith.constant true
        %broadcast_in_dim3A_247 = vector.broadcast %broadcast_in_dim3A_246 : i1 to vector<16xi1>
        %unique3A_248, %unique3A_249 = tpu.scan_count mask(%broadcast_in_dim3A_247 : vector<16xi1>) value(%shift_right_arithmetic3A_242 : vector<16xi32>) : vector<16xi1>, vector<16xi32>
        %gather3A_250 = tpu.vector_load_idx %arg12[%shift_right_arithmetic3A_242] : memref<2048xi32, #tpu.memory_space<vmem>>[vector<16xi32>], vector<16xi32>,
        %add3A_251 = arith.addi %gather3A_250, %unique3A_249 : vector<16xi32>
        %sub3A_252 = arith.constant 1 : i32
        %sub3A_253 = vector.broadcast %sub3A_252 : i32 to vector<16xi32>
        %sub3A_254 = arith.subi %add3A_251, %sub3A_253 : vector<16xi32>
        tpu.vector_store_idx %arg8[%and3A_245], %sub3A_254 : memref<32768xi32, #tpu.memory_space<vmem>>[vector<16xi32>], vector<16xi32>,
        %lt3A_255 = arith.constant 16384 : i32
        %lt3A_256 = vector.broadcast %lt3A_255 : i32 to vector<16xi32>
        %lt3A_257 = arith.cmpi slt, %sub3A_254, %lt3A_256 : vector<16xi32>
        tpu.vector_store_idx %arg9[%sub3A_254], %and3A_245 masked %lt3A_257 : memref<16384xi32, #tpu.memory_space<vmem>>[vector<16xi32>], vector<16xi32>, vector<16xi1>
        %ge3A_258 = arith.constant 16384 : i32
        %ge3A_259 = vector.broadcast %ge3A_258 : i32 to vector<16xi32>
        %ge3A_260 = arith.cmpi sge, %sub3A_254, %ge3A_259 : vector<16xi32>
        %select_n3A_261 = arith.select %ge3A_260, %broadcast_in_dim3A_12, %broadcast_in_dim3A_14 : vector<16xi1>, vector<16xf32>
        tpu.vector_store_idx %arg6[%and3A_245], %select_n3A_261 : memref<32768xf32, #tpu.memory_space<vmem>>[vector<16xi32>], vector<16xf32>,
        %add3A_262 = arith.constant 1 : i32
        %add3A_263 = vector.broadcast %add3A_262 : i32 to vector<16xi32>
        %add3A_264 = arith.addi %sub3A_254, %add3A_263 : vector<16xi32>
        tpu.vector_store_idx %arg12[%shift_right_arithmetic3A_242], %add3A_264 masked %unique3A_248 : memref<2048xi32, #tpu.memory_space<vmem>>[vector<16xi32>], vector<16xi32>, vector<16xi1>
        %mul3A_265 = arith.constant 16 : i32
        %mul3A_266 = arith.muli %scan3A_235, %mul3A_265 : i32
        %add3A_267 = arith.constant 16384 : i32
        %add3A_268 = arith.addi %add3A_267, %mul3A_266 : i32
        %get3A_269 = arith.index_cast %add3A_268 : i32 to index
        %get3A_270 = tpu.vector_load %arg7[%get3A_269] {strides = array<i32>} : memref<32768xi32, #tpu.memory_space<vmem>>, vector<16xi32>,
        %shift_right_arithmetic3A_271 = arith.constant 15 : i32
        %shift_right_arithmetic3A_272 = vector.broadcast %shift_right_arithmetic3A_271 : i32 to vector<16xi32>
        %shift_right_arithmetic3A_273 = arith.shrsi %get3A_270, %shift_right_arithmetic3A_272 : vector<16xi32>
        %and3A_274 = arith.constant 32767 : i32
        %and3A_275 = vector.broadcast %and3A_274 : i32 to vector<16xi32>
        %and3A_276 = arith.andi %get3A_270, %and3A_275 : vector<16xi32>
        %broadcast_in_dim3A_277 = arith.constant true
        %broadcast_in_dim3A_278 = vector.broadcast %broadcast_in_dim3A_277 : i1 to vector<16xi1>
        %unique3A_279, %unique3A_280 = tpu.scan_count mask(%broadcast_in_dim3A_278 : vector<16xi1>) value(%shift_right_arithmetic3A_273 : vector<16xi32>) : vector<16xi1>, vector<16xi32>
        %gather3A_281 = tpu.vector_load_idx %arg13[%shift_right_arithmetic3A_273] : memref<2048xi32, #tpu.memory_space<vmem>>[vector<16xi32>], vector<16xi32>,
        %add3A_282 = arith.addi %gather3A_281, %unique3A_280 : vector<16xi32>
        %sub3A_283 = arith.constant 1 : i32
        %sub3A_284 = vector.broadcast %sub3A_283 : i32 to vector<16xi32>
        %sub3A_285 = arith.subi %add3A_282, %sub3A_284 : vector<16xi32>
        tpu.vector_store_idx %arg8[%and3A_276], %sub3A_285 : memref<32768xi32, #tpu.memory_space<vmem>>[vector<16xi32>], vector<16xi32>,
        %lt3A_286 = arith.constant 16384 : i32
        %lt3A_287 = vector.broadcast %lt3A_286 : i32 to vector<16xi32>
        %lt3A_288 = arith.cmpi slt, %sub3A_285, %lt3A_287 : vector<16xi32>
        tpu.vector_store_idx %arg9[%sub3A_285], %and3A_276 masked %lt3A_288 : memref<16384xi32, #tpu.memory_space<vmem>>[vector<16xi32>], vector<16xi32>, vector<16xi1>
        %ge3A_289 = arith.constant 16384 : i32
        %ge3A_290 = vector.broadcast %ge3A_289 : i32 to vector<16xi32>
        %ge3A_291 = arith.cmpi sge, %sub3A_285, %ge3A_290 : vector<16xi32>
        %select_n3A_292 = arith.select %ge3A_291, %broadcast_in_dim3A_12, %broadcast_in_dim3A_14 : vector<16xi1>, vector<16xf32>
        tpu.vector_store_idx %arg6[%and3A_276], %select_n3A_292 : memref<32768xf32, #tpu.memory_space<vmem>>[vector<16xi32>], vector<16xf32>,
        %add3A_293 = arith.constant 1 : i32
        %add3A_294 = vector.broadcast %add3A_293 : i32 to vector<16xi32>
        %add3A_295 = arith.addi %sub3A_285, %add3A_294 : vector<16xi32>
        tpu.vector_store_idx %arg13[%shift_right_arithmetic3A_273], %add3A_295 masked %unique3A_279 : memref<2048xi32, #tpu.memory_space<vmem>>[vector<16xi32>], vector<16xi32>, vector<16xi1>
        %scan3A_296 = arith.constant 4 : i32
        %scan3A_297 = arith.addi %scan3A_58, %scan3A_296 : i32
        %mul3A_298 = arith.constant 16 : i32
        %mul3A_299 = arith.muli %scan3A_297, %mul3A_298 : i32
        %get3A_300 = arith.index_cast %mul3A_299 : i32 to index
        %get3A_301 = tpu.vector_load %arg7[%get3A_300] {strides = array<i32>} : memref<32768xi32, #tpu.memory_space<vmem>>, vector<16xi32>,
        %shift_right_arithmetic3A_302 = arith.constant 15 : i32
        %shift_right_arithmetic3A_303 = vector.broadcast %shift_right_arithmetic3A_302 : i32 to vector<16xi32>
        %shift_right_arithmetic3A_304 = arith.shrsi %get3A_301, %shift_right_arithmetic3A_303 : vector<16xi32>
        %and3A_305 = arith.constant 32767 : i32
        %and3A_306 = vector.broadcast %and3A_305 : i32 to vector<16xi32>
        %and3A_307 = arith.andi %get3A_301, %and3A_306 : vector<16xi32>
        %broadcast_in_dim3A_308 = arith.constant true
        %broadcast_in_dim3A_309 = vector.broadcast %broadcast_in_dim3A_308 : i1 to vector<16xi1>
        %unique3A_310, %unique3A_311 = tpu.scan_count mask(%broadcast_in_dim3A_309 : vector<16xi1>) value(%shift_right_arithmetic3A_304 : vector<16xi32>) : vector<16xi1>, vector<16xi32>
        %gather3A_312 = tpu.vector_load_idx %arg12[%shift_right_arithmetic3A_304] : memref<2048xi32, #tpu.memory_space<vmem>>[vector<16xi32>], vector<16xi32>,
        %add3A_313 = arith.addi %gather3A_312, %unique3A_311 : vector<16xi32>
        %sub3A_314 = arith.constant 1 : i32
        %sub3A_315 = vector.broadcast %sub3A_314 : i32 to vector<16xi32>
        %sub3A_316 = arith.subi %add3A_313, %sub3A_315 : vector<16xi32>
        tpu.vector_store_idx %arg8[%and3A_307], %sub3A_316 : memref<32768xi32, #tpu.memory_space<vmem>>[vector<16xi32>], vector<16xi32>,
        %lt3A_317 = arith.constant 16384 : i32
        %lt3A_318 = vector.broadcast %lt3A_317 : i32 to vector<16xi32>
        %lt3A_319 = arith.cmpi slt, %sub3A_316, %lt3A_318 : vector<16xi32>
        tpu.vector_store_idx %arg9[%sub3A_316], %and3A_307 masked %lt3A_319 : memref<16384xi32, #tpu.memory_space<vmem>>[vector<16xi32>], vector<16xi32>, vector<16xi1>
        %ge3A_320 = arith.constant 16384 : i32
        %ge3A_321 = vector.broadcast %ge3A_320 : i32 to vector<16xi32>
        %ge3A_322 = arith.cmpi sge, %sub3A_316, %ge3A_321 : vector<16xi32>
        %select_n3A_323 = arith.select %ge3A_322, %broadcast_in_dim3A_12, %broadcast_in_dim3A_14 : vector<16xi1>, vector<16xf32>
        tpu.vector_store_idx %arg6[%and3A_307], %select_n3A_323 : memref<32768xf32, #tpu.memory_space<vmem>>[vector<16xi32>], vector<16xf32>,
        %add3A_324 = arith.constant 1 : i32
        %add3A_325 = vector.broadcast %add3A_324 : i32 to vector<16xi32>
        %add3A_326 = arith.addi %sub3A_316, %add3A_325 : vector<16xi32>
        tpu.vector_store_idx %arg12[%shift_right_arithmetic3A_304], %add3A_326 masked %unique3A_310 : memref<2048xi32, #tpu.memory_space<vmem>>[vector<16xi32>], vector<16xi32>, vector<16xi1>
        %mul3A_327 = arith.constant 16 : i32
        %mul3A_328 = arith.muli %scan3A_297, %mul3A_327 : i32
        %add3A_329 = arith.constant 16384 : i32
        %add3A_330 = arith.addi %add3A_329, %mul3A_328 : i32
        %get3A_331 = arith.index_cast %add3A_330 : i32 to index
        %get3A_332 = tpu.vector_load %arg7[%get3A_331] {strides = array<i32>} : memref<32768xi32, #tpu.memory_space<vmem>>, vector<16xi32>,
        %shift_right_arithmetic3A_333 = arith.constant 15 : i32
        %shift_right_arithmetic3A_334 = vector.broadcast %shift_right_arithmetic3A_333 : i32 to vector<16xi32>
        %shift_right_arithmetic3A_335 = arith.shrsi %get3A_332, %shift_right_arithmetic3A_334 : vector<16xi32>
        %and3A_336 = arith.constant 32767 : i32
        %and3A_337 = vector.broadcast %and3A_336 : i32 to vector<16xi32>
        %and3A_338 = arith.andi %get3A_332, %and3A_337 : vector<16xi32>
        %broadcast_in_dim3A_339 = arith.constant true
        %broadcast_in_dim3A_340 = vector.broadcast %broadcast_in_dim3A_339 : i1 to vector<16xi1>
        %unique3A_341, %unique3A_342 = tpu.scan_count mask(%broadcast_in_dim3A_340 : vector<16xi1>) value(%shift_right_arithmetic3A_335 : vector<16xi32>) : vector<16xi1>, vector<16xi32>
        %gather3A_343 = tpu.vector_load_idx %arg13[%shift_right_arithmetic3A_335] : memref<2048xi32, #tpu.memory_space<vmem>>[vector<16xi32>], vector<16xi32>,
        %add3A_344 = arith.addi %gather3A_343, %unique3A_342 : vector<16xi32>
        %sub3A_345 = arith.constant 1 : i32
        %sub3A_346 = vector.broadcast %sub3A_345 : i32 to vector<16xi32>
        %sub3A_347 = arith.subi %add3A_344, %sub3A_346 : vector<16xi32>
        tpu.vector_store_idx %arg8[%and3A_338], %sub3A_347 : memref<32768xi32, #tpu.memory_space<vmem>>[vector<16xi32>], vector<16xi32>,
        %lt3A_348 = arith.constant 16384 : i32
        %lt3A_349 = vector.broadcast %lt3A_348 : i32 to vector<16xi32>
        %lt3A_350 = arith.cmpi slt, %sub3A_347, %lt3A_349 : vector<16xi32>
        tpu.vector_store_idx %arg9[%sub3A_347], %and3A_338 masked %lt3A_350 : memref<16384xi32, #tpu.memory_space<vmem>>[vector<16xi32>], vector<16xi32>, vector<16xi1>
        %ge3A_351 = arith.constant 16384 : i32
        %ge3A_352 = vector.broadcast %ge3A_351 : i32 to vector<16xi32>
        %ge3A_353 = arith.cmpi sge, %sub3A_347, %ge3A_352 : vector<16xi32>
        %select_n3A_354 = arith.select %ge3A_353, %broadcast_in_dim3A_12, %broadcast_in_dim3A_14 : vector<16xi1>, vector<16xf32>
        tpu.vector_store_idx %arg6[%and3A_338], %select_n3A_354 : memref<32768xf32, #tpu.memory_space<vmem>>[vector<16xi32>], vector<16xf32>,
        %add3A_355 = arith.constant 1 : i32
        %add3A_356 = vector.broadcast %add3A_355 : i32 to vector<16xi32>
        %add3A_357 = arith.addi %sub3A_347, %add3A_356 : vector<16xi32>
        tpu.vector_store_idx %arg13[%shift_right_arithmetic3A_335], %add3A_357 masked %unique3A_341 : memref<2048xi32, #tpu.memory_space<vmem>>[vector<16xi32>], vector<16xi32>, vector<16xi1>
        %scan3A_358 = arith.constant 5 : i32
        %scan3A_359 = arith.addi %scan3A_58, %scan3A_358 : i32
        %mul3A_360 = arith.constant 16 : i32
        %mul3A_361 = arith.muli %scan3A_359, %mul3A_360 : i32
        %get3A_362 = arith.index_cast %mul3A_361 : i32 to index
        %get3A_363 = tpu.vector_load %arg7[%get3A_362] {strides = array<i32>} : memref<32768xi32, #tpu.memory_space<vmem>>, vector<16xi32>,
        %shift_right_arithmetic3A_364 = arith.constant 15 : i32
        %shift_right_arithmetic3A_365 = vector.broadcast %shift_right_arithmetic3A_364 : i32 to vector<16xi32>
        %shift_right_arithmetic3A_366 = arith.shrsi %get3A_363, %shift_right_arithmetic3A_365 : vector<16xi32>
        %and3A_367 = arith.constant 32767 : i32
        %and3A_368 = vector.broadcast %and3A_367 : i32 to vector<16xi32>
        %and3A_369 = arith.andi %get3A_363, %and3A_368 : vector<16xi32>
        %broadcast_in_dim3A_370 = arith.constant true
        %broadcast_in_dim3A_371 = vector.broadcast %broadcast_in_dim3A_370 : i1 to vector<16xi1>
        %unique3A_372, %unique3A_373 = tpu.scan_count mask(%broadcast_in_dim3A_371 : vector<16xi1>) value(%shift_right_arithmetic3A_366 : vector<16xi32>) : vector<16xi1>, vector<16xi32>
        %gather3A_374 = tpu.vector_load_idx %arg12[%shift_right_arithmetic3A_366] : memref<2048xi32, #tpu.memory_space<vmem>>[vector<16xi32>], vector<16xi32>,
        %add3A_375 = arith.addi %gather3A_374, %unique3A_373 : vector<16xi32>
        %sub3A_376 = arith.constant 1 : i32
        %sub3A_377 = vector.broadcast %sub3A_376 : i32 to vector<16xi32>
        %sub3A_378 = arith.subi %add3A_375, %sub3A_377 : vector<16xi32>
        tpu.vector_store_idx %arg8[%and3A_369], %sub3A_378 : memref<32768xi32, #tpu.memory_space<vmem>>[vector<16xi32>], vector<16xi32>,
        %lt3A_379 = arith.constant 16384 : i32
        %lt3A_380 = vector.broadcast %lt3A_379 : i32 to vector<16xi32>
        %lt3A_381 = arith.cmpi slt, %sub3A_378, %lt3A_380 : vector<16xi32>
        tpu.vector_store_idx %arg9[%sub3A_378], %and3A_369 masked %lt3A_381 : memref<16384xi32, #tpu.memory_space<vmem>>[vector<16xi32>], vector<16xi32>, vector<16xi1>
        %ge3A_382 = arith.constant 16384 : i32
        %ge3A_383 = vector.broadcast %ge3A_382 : i32 to vector<16xi32>
        %ge3A_384 = arith.cmpi sge, %sub3A_378, %ge3A_383 : vector<16xi32>
        %select_n3A_385 = arith.select %ge3A_384, %broadcast_in_dim3A_12, %broadcast_in_dim3A_14 : vector<16xi1>, vector<16xf32>
        tpu.vector_store_idx %arg6[%and3A_369], %select_n3A_385 : memref<32768xf32, #tpu.memory_space<vmem>>[vector<16xi32>], vector<16xf32>,
        %add3A_386 = arith.constant 1 : i32
        %add3A_387 = vector.broadcast %add3A_386 : i32 to vector<16xi32>
        %add3A_388 = arith.addi %sub3A_378, %add3A_387 : vector<16xi32>
        tpu.vector_store_idx %arg12[%shift_right_arithmetic3A_366], %add3A_388 masked %unique3A_372 : memref<2048xi32, #tpu.memory_space<vmem>>[vector<16xi32>], vector<16xi32>, vector<16xi1>
        %mul3A_389 = arith.constant 16 : i32
        %mul3A_390 = arith.muli %scan3A_359, %mul3A_389 : i32
        %add3A_391 = arith.constant 16384 : i32
        %add3A_392 = arith.addi %add3A_391, %mul3A_390 : i32
        %get3A_393 = arith.index_cast %add3A_392 : i32 to index
        %get3A_394 = tpu.vector_load %arg7[%get3A_393] {strides = array<i32>} : memref<32768xi32, #tpu.memory_space<vmem>>, vector<16xi32>,
        %shift_right_arithmetic3A_395 = arith.constant 15 : i32
        %shift_right_arithmetic3A_396 = vector.broadcast %shift_right_arithmetic3A_395 : i32 to vector<16xi32>
        %shift_right_arithmetic3A_397 = arith.shrsi %get3A_394, %shift_right_arithmetic3A_396 : vector<16xi32>
        %and3A_398 = arith.constant 32767 : i32
        %and3A_399 = vector.broadcast %and3A_398 : i32 to vector<16xi32>
        %and3A_400 = arith.andi %get3A_394, %and3A_399 : vector<16xi32>
        %broadcast_in_dim3A_401 = arith.constant true
        %broadcast_in_dim3A_402 = vector.broadcast %broadcast_in_dim3A_401 : i1 to vector<16xi1>
        %unique3A_403, %unique3A_404 = tpu.scan_count mask(%broadcast_in_dim3A_402 : vector<16xi1>) value(%shift_right_arithmetic3A_397 : vector<16xi32>) : vector<16xi1>, vector<16xi32>
        %gather3A_405 = tpu.vector_load_idx %arg13[%shift_right_arithmetic3A_397] : memref<2048xi32, #tpu.memory_space<vmem>>[vector<16xi32>], vector<16xi32>,
        %add3A_406 = arith.addi %gather3A_405, %unique3A_404 : vector<16xi32>
        %sub3A_407 = arith.constant 1 : i32
        %sub3A_408 = vector.broadcast %sub3A_407 : i32 to vector<16xi32>
        %sub3A_409 = arith.subi %add3A_406, %sub3A_408 : vector<16xi32>
        tpu.vector_store_idx %arg8[%and3A_400], %sub3A_409 : memref<32768xi32, #tpu.memory_space<vmem>>[vector<16xi32>], vector<16xi32>,
        %lt3A_410 = arith.constant 16384 : i32
        %lt3A_411 = vector.broadcast %lt3A_410 : i32 to vector<16xi32>
        %lt3A_412 = arith.cmpi slt, %sub3A_409, %lt3A_411 : vector<16xi32>
        tpu.vector_store_idx %arg9[%sub3A_409], %and3A_400 masked %lt3A_412 : memref<16384xi32, #tpu.memory_space<vmem>>[vector<16xi32>], vector<16xi32>, vector<16xi1>
        %ge3A_413 = arith.constant 16384 : i32
        %ge3A_414 = vector.broadcast %ge3A_413 : i32 to vector<16xi32>
        %ge3A_415 = arith.cmpi sge, %sub3A_409, %ge3A_414 : vector<16xi32>
        %select_n3A_416 = arith.select %ge3A_415, %broadcast_in_dim3A_12, %broadcast_in_dim3A_14 : vector<16xi1>, vector<16xf32>
        tpu.vector_store_idx %arg6[%and3A_400], %select_n3A_416 : memref<32768xf32, #tpu.memory_space<vmem>>[vector<16xi32>], vector<16xf32>,
        %add3A_417 = arith.constant 1 : i32
        %add3A_418 = vector.broadcast %add3A_417 : i32 to vector<16xi32>
        %add3A_419 = arith.addi %sub3A_409, %add3A_418 : vector<16xi32>
        tpu.vector_store_idx %arg13[%shift_right_arithmetic3A_397], %add3A_419 masked %unique3A_403 : memref<2048xi32, #tpu.memory_space<vmem>>[vector<16xi32>], vector<16xi32>, vector<16xi1>
        %scan3A_420 = arith.constant 6 : i32
        %scan3A_421 = arith.addi %scan3A_58, %scan3A_420 : i32
        %mul3A_422 = arith.constant 16 : i32
        %mul3A_423 = arith.muli %scan3A_421, %mul3A_422 : i32
        %get3A_424 = arith.index_cast %mul3A_423 : i32 to index
        %get3A_425 = tpu.vector_load %arg7[%get3A_424] {strides = array<i32>} : memref<32768xi32, #tpu.memory_space<vmem>>, vector<16xi32>,
        %shift_right_arithmetic3A_426 = arith.constant 15 : i32
        %shift_right_arithmetic3A_427 = vector.broadcast %shift_right_arithmetic3A_426 : i32 to vector<16xi32>
        %shift_right_arithmetic3A_428 = arith.shrsi %get3A_425, %shift_right_arithmetic3A_427 : vector<16xi32>
        %and3A_429 = arith.constant 32767 : i32
        %and3A_430 = vector.broadcast %and3A_429 : i32 to vector<16xi32>
        %and3A_431 = arith.andi %get3A_425, %and3A_430 : vector<16xi32>
        %broadcast_in_dim3A_432 = arith.constant true
        %broadcast_in_dim3A_433 = vector.broadcast %broadcast_in_dim3A_432 : i1 to vector<16xi1>
        %unique3A_434, %unique3A_435 = tpu.scan_count mask(%broadcast_in_dim3A_433 : vector<16xi1>) value(%shift_right_arithmetic3A_428 : vector<16xi32>) : vector<16xi1>, vector<16xi32>
        %gather3A_436 = tpu.vector_load_idx %arg12[%shift_right_arithmetic3A_428] : memref<2048xi32, #tpu.memory_space<vmem>>[vector<16xi32>], vector<16xi32>,
        %add3A_437 = arith.addi %gather3A_436, %unique3A_435 : vector<16xi32>
        %sub3A_438 = arith.constant 1 : i32
        %sub3A_439 = vector.broadcast %sub3A_438 : i32 to vector<16xi32>
        %sub3A_440 = arith.subi %add3A_437, %sub3A_439 : vector<16xi32>
        tpu.vector_store_idx %arg8[%and3A_431], %sub3A_440 : memref<32768xi32, #tpu.memory_space<vmem>>[vector<16xi32>], vector<16xi32>,
        %lt3A_441 = arith.constant 16384 : i32
        %lt3A_442 = vector.broadcast %lt3A_441 : i32 to vector<16xi32>
        %lt3A_443 = arith.cmpi slt, %sub3A_440, %lt3A_442 : vector<16xi32>
        tpu.vector_store_idx %arg9[%sub3A_440], %and3A_431 masked %lt3A_443 : memref<16384xi32, #tpu.memory_space<vmem>>[vector<16xi32>], vector<16xi32>, vector<16xi1>
        %ge3A_444 = arith.constant 16384 : i32
        %ge3A_445 = vector.broadcast %ge3A_444 : i32 to vector<16xi32>
        %ge3A_446 = arith.cmpi sge, %sub3A_440, %ge3A_445 : vector<16xi32>
        %select_n3A_447 = arith.select %ge3A_446, %broadcast_in_dim3A_12, %broadcast_in_dim3A_14 : vector<16xi1>, vector<16xf32>
        tpu.vector_store_idx %arg6[%and3A_431], %select_n3A_447 : memref<32768xf32, #tpu.memory_space<vmem>>[vector<16xi32>], vector<16xf32>,
        %add3A_448 = arith.constant 1 : i32
        %add3A_449 = vector.broadcast %add3A_448 : i32 to vector<16xi32>
        %add3A_450 = arith.addi %sub3A_440, %add3A_449 : vector<16xi32>
        tpu.vector_store_idx %arg12[%shift_right_arithmetic3A_428], %add3A_450 masked %unique3A_434 : memref<2048xi32, #tpu.memory_space<vmem>>[vector<16xi32>], vector<16xi32>, vector<16xi1>
        %mul3A_451 = arith.constant 16 : i32
        %mul3A_452 = arith.muli %scan3A_421, %mul3A_451 : i32
        %add3A_453 = arith.constant 16384 : i32
        %add3A_454 = arith.addi %add3A_453, %mul3A_452 : i32
        %get3A_455 = arith.index_cast %add3A_454 : i32 to index
        %get3A_456 = tpu.vector_load %arg7[%get3A_455] {strides = array<i32>} : memref<32768xi32, #tpu.memory_space<vmem>>, vector<16xi32>,
        %shift_right_arithmetic3A_457 = arith.constant 15 : i32
        %shift_right_arithmetic3A_458 = vector.broadcast %shift_right_arithmetic3A_457 : i32 to vector<16xi32>
        %shift_right_arithmetic3A_459 = arith.shrsi %get3A_456, %shift_right_arithmetic3A_458 : vector<16xi32>
        %and3A_460 = arith.constant 32767 : i32
        %and3A_461 = vector.broadcast %and3A_460 : i32 to vector<16xi32>
        %and3A_462 = arith.andi %get3A_456, %and3A_461 : vector<16xi32>
        %broadcast_in_dim3A_463 = arith.constant true
        %broadcast_in_dim3A_464 = vector.broadcast %broadcast_in_dim3A_463 : i1 to vector<16xi1>
        %unique3A_465, %unique3A_466 = tpu.scan_count mask(%broadcast_in_dim3A_464 : vector<16xi1>) value(%shift_right_arithmetic3A_459 : vector<16xi32>) : vector<16xi1>, vector<16xi32>
        %gather3A_467 = tpu.vector_load_idx %arg13[%shift_right_arithmetic3A_459] : memref<2048xi32, #tpu.memory_space<vmem>>[vector<16xi32>], vector<16xi32>,
        %add3A_468 = arith.addi %gather3A_467, %unique3A_466 : vector<16xi32>
        %sub3A_469 = arith.constant 1 : i32
        %sub3A_470 = vector.broadcast %sub3A_469 : i32 to vector<16xi32>
        %sub3A_471 = arith.subi %add3A_468, %sub3A_470 : vector<16xi32>
        tpu.vector_store_idx %arg8[%and3A_462], %sub3A_471 : memref<32768xi32, #tpu.memory_space<vmem>>[vector<16xi32>], vector<16xi32>,
        %lt3A_472 = arith.constant 16384 : i32
        %lt3A_473 = vector.broadcast %lt3A_472 : i32 to vector<16xi32>
        %lt3A_474 = arith.cmpi slt, %sub3A_471, %lt3A_473 : vector<16xi32>
        tpu.vector_store_idx %arg9[%sub3A_471], %and3A_462 masked %lt3A_474 : memref<16384xi32, #tpu.memory_space<vmem>>[vector<16xi32>], vector<16xi32>, vector<16xi1>
        %ge3A_475 = arith.constant 16384 : i32
        %ge3A_476 = vector.broadcast %ge3A_475 : i32 to vector<16xi32>
        %ge3A_477 = arith.cmpi sge, %sub3A_471, %ge3A_476 : vector<16xi32>
        %select_n3A_478 = arith.select %ge3A_477, %broadcast_in_dim3A_12, %broadcast_in_dim3A_14 : vector<16xi1>, vector<16xf32>
        tpu.vector_store_idx %arg6[%and3A_462], %select_n3A_478 : memref<32768xf32, #tpu.memory_space<vmem>>[vector<16xi32>], vector<16xf32>,
        %add3A_479 = arith.constant 1 : i32
        %add3A_480 = vector.broadcast %add3A_479 : i32 to vector<16xi32>
        %add3A_481 = arith.addi %sub3A_471, %add3A_480 : vector<16xi32>
        tpu.vector_store_idx %arg13[%shift_right_arithmetic3A_459], %add3A_481 masked %unique3A_465 : memref<2048xi32, #tpu.memory_space<vmem>>[vector<16xi32>], vector<16xi32>, vector<16xi1>
        %scan3A_482 = arith.constant 7 : i32
        %scan3A_483 = arith.addi %scan3A_58, %scan3A_482 : i32
        %mul3A_484 = arith.constant 16 : i32
        %mul3A_485 = arith.muli %scan3A_483, %mul3A_484 : i32
        %get3A_486 = arith.index_cast %mul3A_485 : i32 to index
        %get3A_487 = tpu.vector_load %arg7[%get3A_486] {strides = array<i32>} : memref<32768xi32, #tpu.memory_space<vmem>>, vector<16xi32>,
        %shift_right_arithmetic3A_488 = arith.constant 15 : i32
        %shift_right_arithmetic3A_489 = vector.broadcast %shift_right_arithmetic3A_488 : i32 to vector<16xi32>
        %shift_right_arithmetic3A_490 = arith.shrsi %get3A_487, %shift_right_arithmetic3A_489 : vector<16xi32>
        %and3A_491 = arith.constant 32767 : i32
        %and3A_492 = vector.broadcast %and3A_491 : i32 to vector<16xi32>
        %and3A_493 = arith.andi %get3A_487, %and3A_492 : vector<16xi32>
        %broadcast_in_dim3A_494 = arith.constant true
        %broadcast_in_dim3A_495 = vector.broadcast %broadcast_in_dim3A_494 : i1 to vector<16xi1>
        %unique3A_496, %unique3A_497 = tpu.scan_count mask(%broadcast_in_dim3A_495 : vector<16xi1>) value(%shift_right_arithmetic3A_490 : vector<16xi32>) : vector<16xi1>, vector<16xi32>
        %gather3A_498 = tpu.vector_load_idx %arg12[%shift_right_arithmetic3A_490] : memref<2048xi32, #tpu.memory_space<vmem>>[vector<16xi32>], vector<16xi32>,
        %add3A_499 = arith.addi %gather3A_498, %unique3A_497 : vector<16xi32>
        %sub3A_500 = arith.constant 1 : i32
        %sub3A_501 = vector.broadcast %sub3A_500 : i32 to vector<16xi32>
        %sub3A_502 = arith.subi %add3A_499, %sub3A_501 : vector<16xi32>
        tpu.vector_store_idx %arg8[%and3A_493], %sub3A_502 : memref<32768xi32, #tpu.memory_space<vmem>>[vector<16xi32>], vector<16xi32>,
        %lt3A_503 = arith.constant 16384 : i32
        %lt3A_504 = vector.broadcast %lt3A_503 : i32 to vector<16xi32>
        %lt3A_505 = arith.cmpi slt, %sub3A_502, %lt3A_504 : vector<16xi32>
        tpu.vector_store_idx %arg9[%sub3A_502], %and3A_493 masked %lt3A_505 : memref<16384xi32, #tpu.memory_space<vmem>>[vector<16xi32>], vector<16xi32>, vector<16xi1>
        %ge3A_506 = arith.constant 16384 : i32
        %ge3A_507 = vector.broadcast %ge3A_506 : i32 to vector<16xi32>
        %ge3A_508 = arith.cmpi sge, %sub3A_502, %ge3A_507 : vector<16xi32>
        %select_n3A_509 = arith.select %ge3A_508, %broadcast_in_dim3A_12, %broadcast_in_dim3A_14 : vector<16xi1>, vector<16xf32>
        tpu.vector_store_idx %arg6[%and3A_493], %select_n3A_509 : memref<32768xf32, #tpu.memory_space<vmem>>[vector<16xi32>], vector<16xf32>,
        %add3A_510 = arith.constant 1 : i32
        %add3A_511 = vector.broadcast %add3A_510 : i32 to vector<16xi32>
        %add3A_512 = arith.addi %sub3A_502, %add3A_511 : vector<16xi32>
        tpu.vector_store_idx %arg12[%shift_right_arithmetic3A_490], %add3A_512 masked %unique3A_496 : memref<2048xi32, #tpu.memory_space<vmem>>[vector<16xi32>], vector<16xi32>, vector<16xi1>
        %mul3A_513 = arith.constant 16 : i32
        %mul3A_514 = arith.muli %scan3A_483, %mul3A_513 : i32
        %add3A_515 = arith.constant 16384 : i32
        %add3A_516 = arith.addi %add3A_515, %mul3A_514 : i32
        %get3A_517 = arith.index_cast %add3A_516 : i32 to index
        %get3A_518 = tpu.vector_load %arg7[%get3A_517] {strides = array<i32>} : memref<32768xi32, #tpu.memory_space<vmem>>, vector<16xi32>,
        %shift_right_arithmetic3A_519 = arith.constant 15 : i32
        %shift_right_arithmetic3A_520 = vector.broadcast %shift_right_arithmetic3A_519 : i32 to vector<16xi32>
        %shift_right_arithmetic3A_521 = arith.shrsi %get3A_518, %shift_right_arithmetic3A_520 : vector<16xi32>
        %and3A_522 = arith.constant 32767 : i32
        %and3A_523 = vector.broadcast %and3A_522 : i32 to vector<16xi32>
        %and3A_524 = arith.andi %get3A_518, %and3A_523 : vector<16xi32>
        %broadcast_in_dim3A_525 = arith.constant true
        %broadcast_in_dim3A_526 = vector.broadcast %broadcast_in_dim3A_525 : i1 to vector<16xi1>
        %unique3A_527, %unique3A_528 = tpu.scan_count mask(%broadcast_in_dim3A_526 : vector<16xi1>) value(%shift_right_arithmetic3A_521 : vector<16xi32>) : vector<16xi1>, vector<16xi32>
        %gather3A_529 = tpu.vector_load_idx %arg13[%shift_right_arithmetic3A_521] : memref<2048xi32, #tpu.memory_space<vmem>>[vector<16xi32>], vector<16xi32>,
        %add3A_530 = arith.addi %gather3A_529, %unique3A_528 : vector<16xi32>
        %sub3A_531 = arith.constant 1 : i32
        %sub3A_532 = vector.broadcast %sub3A_531 : i32 to vector<16xi32>
        %sub3A_533 = arith.subi %add3A_530, %sub3A_532 : vector<16xi32>
        tpu.vector_store_idx %arg8[%and3A_524], %sub3A_533 : memref<32768xi32, #tpu.memory_space<vmem>>[vector<16xi32>], vector<16xi32>,
        %lt3A_534 = arith.constant 16384 : i32
        %lt3A_535 = vector.broadcast %lt3A_534 : i32 to vector<16xi32>
        %lt3A_536 = arith.cmpi slt, %sub3A_533, %lt3A_535 : vector<16xi32>
        tpu.vector_store_idx %arg9[%sub3A_533], %and3A_524 masked %lt3A_536 : memref<16384xi32, #tpu.memory_space<vmem>>[vector<16xi32>], vector<16xi32>, vector<16xi1>
        %ge3A_537 = arith.constant 16384 : i32
        %ge3A_538 = vector.broadcast %ge3A_537 : i32 to vector<16xi32>
        %ge3A_539 = arith.cmpi sge, %sub3A_533, %ge3A_538 : vector<16xi32>
        %select_n3A_540 = arith.select %ge3A_539, %broadcast_in_dim3A_12, %broadcast_in_dim3A_14 : vector<16xi1>, vector<16xf32>
        tpu.vector_store_idx %arg6[%and3A_524], %select_n3A_540 : memref<32768xf32, #tpu.memory_space<vmem>>[vector<16xi32>], vector<16xf32>,
        %add3A_541 = arith.constant 1 : i32
        %add3A_542 = vector.broadcast %add3A_541 : i32 to vector<16xi32>
        %add3A_543 = arith.addi %sub3A_533, %add3A_542 : vector<16xi32>
        tpu.vector_store_idx %arg13[%shift_right_arithmetic3A_521], %add3A_543 masked %unique3A_527 : memref<2048xi32, #tpu.memory_space<vmem>>[vector<16xi32>], vector<16xi32>, vector<16xi1>
      }
      %scan3A_57 = arith.constant 1024 : i32
      "tpu.region"() ({
        %run_scoped3A = tpu.sem_alloc : memref<!tpu.dma_semaphore, #tpu.memory_space<semaphore_mem>>
        %dma_start3A = arith.constant 0 : i32
        %dma_start3A_58 = tpu.memref_slice %arg4[%add3A_9, %dma_start3A] : memref<64x32768xi32, #tpu.memory_space<hbm>> -> memref<1x32768xi32, #tpu.memory_space<hbm>>
        %dma_start3A_59 = tpu.memref_squeeze %dma_start3A_58 : memref<1x32768xi32, #tpu.memory_space<hbm>> -> memref<32768xi32, #tpu.memory_space<hbm>>
        %dma_start3A_60 = arith.constant 0 : i32
        %dma_start3A_61 = tpu.memref_slice %arg4[%add3A_9, %dma_start3A_60] : memref<64x32768xi32, #tpu.memory_space<hbm>> -> memref<1x32768xi32, #tpu.memory_space<hbm>>
        %dma_start3A_62 = tpu.memref_squeeze %dma_start3A_61 : memref<1x32768xi32, #tpu.memory_space<hbm>> -> memref<32768xi32, #tpu.memory_space<hbm>>
        tpu.enqueue_dma source(%arg8 : memref<32768xi32, #tpu.memory_space<vmem>>) target(%dma_start3A_62 : memref<32768xi32, #tpu.memory_space<hbm>>) target_semaphore(%run_scoped3A : memref<!tpu.dma_semaphore, #tpu.memory_space<semaphore_mem>>)
        %dma_wait3A = arith.constant 0 : i32
        %dma_wait3A_63 = tpu.memref_slice %arg4[%add3A_9, %dma_wait3A] : memref<64x32768xi32, #tpu.memory_space<hbm>> -> memref<1x32768xi32, #tpu.memory_space<hbm>>
        %dma_wait3A_64 = tpu.memref_squeeze %dma_wait3A_63 : memref<1x32768xi32, #tpu.memory_space<hbm>> -> memref<32768xi32, #tpu.memory_space<hbm>>
        %dma_wait3A_65 = arith.constant 0 : i32
        %dma_wait3A_66 = tpu.memref_slice %arg4[%add3A_9, %dma_wait3A_65] : memref<64x32768xi32, #tpu.memory_space<hbm>> -> memref<1x32768xi32, #tpu.memory_space<hbm>>
        %dma_wait3A_67 = tpu.memref_squeeze %dma_wait3A_66 : memref<1x32768xi32, #tpu.memory_space<hbm>> -> memref<32768xi32, #tpu.memory_space<hbm>>
        tpu.wait_dma2 semaphore(%run_scoped3A : memref<!tpu.dma_semaphore, #tpu.memory_space<semaphore_mem>>) src(%arg8 : memref<32768xi32, #tpu.memory_space<vmem>>) dst(%dma_wait3A_67 : memref<32768xi32, #tpu.memory_space<hbm>>)
        tpu.yield
      }) : () -> ()
      "tpu.region"() ({
        %run_scoped3A = tpu.sem_alloc : memref<!tpu.dma_semaphore, #tpu.memory_space<semaphore_mem>>
        %dma_start3A = arith.constant 0 : i32
        %dma_start3A_58 = tpu.memref_slice %arg3[%add3A_9, %dma_start3A] : memref<64x16384xi32, #tpu.memory_space<hbm>> -> memref<1x16384xi32, #tpu.memory_space<hbm>>
        %dma_start3A_59 = tpu.memref_squeeze %dma_start3A_58 : memref<1x16384xi32, #tpu.memory_space<hbm>> -> memref<16384xi32, #tpu.memory_space<hbm>>
        %dma_start3A_60 = arith.constant 0 : i32
        %dma_start3A_61 = tpu.memref_slice %arg3[%add3A_9, %dma_start3A_60] : memref<64x16384xi32, #tpu.memory_space<hbm>> -> memref<1x16384xi32, #tpu.memory_space<hbm>>
        %dma_start3A_62 = tpu.memref_squeeze %dma_start3A_61 : memref<1x16384xi32, #tpu.memory_space<hbm>> -> memref<16384xi32, #tpu.memory_space<hbm>>
        tpu.enqueue_dma source(%arg9 : memref<16384xi32, #tpu.memory_space<vmem>>) target(%dma_start3A_62 : memref<16384xi32, #tpu.memory_space<hbm>>) target_semaphore(%run_scoped3A : memref<!tpu.dma_semaphore, #tpu.memory_space<semaphore_mem>>)
        %dma_wait3A = arith.constant 0 : i32
        %dma_wait3A_63 = tpu.memref_slice %arg3[%add3A_9, %dma_wait3A] : memref<64x16384xi32, #tpu.memory_space<hbm>> -> memref<1x16384xi32, #tpu.memory_space<hbm>>
        %dma_wait3A_64 = tpu.memref_squeeze %dma_wait3A_63 : memref<1x16384xi32, #tpu.memory_space<hbm>> -> memref<16384xi32, #tpu.memory_space<hbm>>
        %dma_wait3A_65 = arith.constant 0 : i32
        %dma_wait3A_66 = tpu.memref_slice %arg3[%add3A_9, %dma_wait3A_65] : memref<64x16384xi32, #tpu.memory_space<hbm>> -> memref<1x16384xi32, #tpu.memory_space<hbm>>
        %dma_wait3A_67 = tpu.memref_squeeze %dma_wait3A_66 : memref<1x16384xi32, #tpu.memory_space<hbm>> -> memref<16384xi32, #tpu.memory_space<hbm>>
        tpu.wait_dma2 semaphore(%run_scoped3A : memref<!tpu.dma_semaphore, #tpu.memory_space<semaphore_mem>>) src(%arg9 : memref<16384xi32, #tpu.memory_space<vmem>>) dst(%dma_wait3A_67 : memref<16384xi32, #tpu.memory_space<hbm>>)
        tpu.yield
      }) : () -> ()
      "tpu.region"() ({
        %run_scoped3A = tpu.sem_alloc : memref<!tpu.dma_semaphore, #tpu.memory_space<semaphore_mem>>
        %dma_start3A = arith.constant 0 : i32
        %dma_start3A_58 = tpu.memref_slice %arg5[%add3A_9, %dma_start3A] : memref<64x32768xf32, #tpu.memory_space<hbm>> -> memref<1x32768xf32, #tpu.memory_space<hbm>>
        %dma_start3A_59 = tpu.memref_squeeze %dma_start3A_58 : memref<1x32768xf32, #tpu.memory_space<hbm>> -> memref<32768xf32, #tpu.memory_space<hbm>>
        %dma_start3A_60 = arith.constant 0 : i32
        %dma_start3A_61 = tpu.memref_slice %arg5[%add3A_9, %dma_start3A_60] : memref<64x32768xf32, #tpu.memory_space<hbm>> -> memref<1x32768xf32, #tpu.memory_space<hbm>>
        %dma_start3A_62 = tpu.memref_squeeze %dma_start3A_61 : memref<1x32768xf32, #tpu.memory_space<hbm>> -> memref<32768xf32, #tpu.memory_space<hbm>>
        tpu.enqueue_dma source(%arg6 : memref<32768xf32, #tpu.memory_space<vmem>>) target(%dma_start3A_62 : memref<32768xf32, #tpu.memory_space<hbm>>) target_semaphore(%run_scoped3A : memref<!tpu.dma_semaphore, #tpu.memory_space<semaphore_mem>>)
        %dma_wait3A = arith.constant 0 : i32
        %dma_wait3A_63 = tpu.memref_slice %arg5[%add3A_9, %dma_wait3A] : memref<64x32768xf32, #tpu.memory_space<hbm>> -> memref<1x32768xf32, #tpu.memory_space<hbm>>
        %dma_wait3A_64 = tpu.memref_squeeze %dma_wait3A_63 : memref<1x32768xf32, #tpu.memory_space<hbm>> -> memref<32768xf32, #tpu.memory_space<hbm>>
        %dma_wait3A_65 = arith.constant 0 : i32
        %dma_wait3A_66 = tpu.memref_slice %arg5[%add3A_9, %dma_wait3A_65] : memref<64x32768xf32, #tpu.memory_space<hbm>> -> memref<1x32768xf32, #tpu.memory_space<hbm>>
        %dma_wait3A_67 = tpu.memref_squeeze %dma_wait3A_66 : memref<1x32768xf32, #tpu.memory_space<hbm>> -> memref<32768xf32, #tpu.memory_space<hbm>>
        tpu.wait_dma2 semaphore(%run_scoped3A : memref<!tpu.dma_semaphore, #tpu.memory_space<semaphore_mem>>) src(%arg6 : memref<32768xf32, #tpu.memory_space<vmem>>) dst(%dma_wait3A_67 : memref<32768xf32, #tpu.memory_space<hbm>>)
        tpu.yield
      }) : () -> ()
    }
    %scan3A_5 = arith.constant 2 : i32
    return
  }
}

</mosaic_0001>

<sc_bundles>
// kernel: kernel.3.cloned.1.call-start
scs
__scs_entry_jumppad:
0x0: {  	(pc) =	sbr.rel $0x88, $3  }
0x1: {  	(tag) =	ssettag $0x0;
	lr =	simm.s32 $0x1  }
0x2: {  	[smem:$0x3FA0] =	sst lr;
	_ =	strace $0xD0000000  }
0x3: {  	_ = 	snop  }
0x4: {  	_ = 	snop  }
0x5: {  	_ = 	snop  }
0x6: {  	_ = 	snop  }
0x7: {  	_ = 	snop  }
__scs_overlays_trampoline_lowered:
0x8: {  	[smem:$0x3FAF] =	sst s0  }
0x9: {  	[smem:$0x3FB0] =	sst s1  }
0xa: {  	[smem:$0x3FB1] =	sst s2  }
0xb: {  	[smem:$0x3FB2] =	sst s3  }
0xc: {  	[smem:$0x3FB3] =	sst s4  }
0xd: {  	[smem:$0x3FB4] =	sst s5  }
0xe: {  	[smem:$0x3FB5] =	sst s6  }
0xf: {  	[smem:$0x3FB6] =	sst s7  }
0x10: {  	[smem:$0x3FB7] =	sst s8  }
0x11: {  	[smem:$0x3FB8] =	sst s9;
	s0 =	simm.s32 @!p0 $0x0  }
0x12: {  	s1 =	sld [smem:$0x3F9E];
	s0 =	simm.s32 @p0 $0x1  }
0x13: {  	[smem:$0x3FB9] =	sst s0;
	s0 =	simm.s32 @!p1 $0x0  }
0x14: {  	s2 =	sld [smem:$0x3F9D];
	s0 =	simm.s32 @p1 $0x1  }
0x15: {  	[smem:$0x3FBA] =	sst s0;
	s0 =	simm.s32 @!p2 $0x0  }
0x16: {  	s3 =	sld [smem:$0x3FDB];
	s0 =	simm.s32 @p2 $0x1  }
0x17: {  	s4 =	simm.s32 $0x1BF5;
	[smem:$0x3FBC] =	sst s0  }
0x18: {  	s0 =	sld [smem:$0x3F9F];
	_ =	swait.ge [sflag:s4], $0x0  }
0x19: {  	s7 =	sld [smem:$0x3FA0]  }
0x1a: {  	s8 =	sadd.s32 $0xFFFFE003, lr  }
0x1b: {  	s9 =	sadd.s32 $0xFFFFFEF7, lr;
	s5 =	simm.s32 $0xFFFFFFFF;
	p2 =	slt.u32 s8, $0xFFFFF086  }
0x1c: {  	p1 =	slt.u32 s9, $0xF7A;
	s5 =	simm.s32 @!p2 $0x0  }
0x1d: {  	s5 =	simm.s32 @p1 $0x1;
	p0 =	seq.s32 s7, s2  }
0x1e: {  	s7 =	smul.u32 @!p0 $0xF7A, s2;
	p2 =	seq.s32 @!p0 s5, $0x0  }
0x1f: {  	s9 =	smul.u32 $0xF7A, s1;
	s8 =	simm.s32 @!p0 $0x1BF5;
	p2 =	por !p2, p0  }
0x20: {  	[sflag:s8] =	ssyncset.s32 @!p0 $0xFFFFF086;
	s6 =	sadd.s32 @!p0 s3, s7;
	s7 =	simm.s32 @!p0 $0x108  }
0x21: {  	s3 =	sadd.s32 s3, s9;
	s6 =	sadd.s32 @!p0 $0x88, s6;
	s7 =	simm.s32 @p2 $0x1082  }
0x22: {  	[simem:s7], [sflag:s8] =	dma.local @!p0 [hbm:s6], $0xF7A  }
0x23: {  	s9 =	sor.u32 $0xD0000000, s2;
	s6 =	simm.s32 $0x108;
	_ =	swait.ge @!p0 [sflag:s8], $0x0  }
0x24: {  	s3 =	sadd.s32 $0x88, s3;
	s6 =	simm.s32 @!p1 $0x1082;
	[sflag:s4] =	ssyncset.s32 $0xFFFFF086  }
0x25: {  	[simem:s6], [sflag:s4] =	dma.local [hbm:s3], $0xF7A  }
0x26: {  	[smem:$0x3FA0] =	sst s1;
	(tag) =	ssettag s2;
	_ =	strace s9  }
0x27: {  	s1 =	sld [smem:$0x3FB0]  }
0x28: {  	s2 =	sld [smem:$0x3FB1]  }
0x29: {  	s4 =	sld [smem:$0x3FB3]  }
0x2a: {  	p0 =	seq.s32 s5, $0x0;
	s5 =	sld [smem:$0x3FB4]  }
0x2b: {  	s6 =	sld [smem:$0x3FB5]  }
0x2c: {  	s7 =	sld [smem:$0x3FB6]  }
0x2d: {  	s3 =	simm.s32 $0x108;
	s8 =	sld [smem:$0x3FB7]  }
0x2e: {  	s3 =	simm.s32 @!p0 $0x1082;
	s9 =	sld [smem:$0x3FB8]  }
0x2f: {  	lr =	sadd.s32 s0, s3;
	s0 =	sld [smem:$0x3FAF]  }
0x30: {  	s3 =	sld [smem:$0x3FB2]  }
0x31: {  	[smem:$0x3FBB] =	sst s10  }
0x32: {  	s10 =	sld [smem:$0x3FB9];
	_ =	sdelay $0x3  }
0x33: {  	p0 =	seq.s32 s10, $0x1;
	s10 =	sld [smem:$0x3FBB];
	_ =	sdelay $0x3  }
0x34: {  	[smem:$0x3FBB] =	sst s10  }
0x35: {  	s10 =	sld [smem:$0x3FBA];
	_ =	sdelay $0x3  }
0x36: {  	p1 =	seq.s32 s10, $0x1;
	s10 =	sld [smem:$0x3FBB];
	_ =	sdelay $0x3  }
0x37: {  	[smem:$0x3FBB] =	sst s10  }
0x38: {  	s10 =	sld [smem:$0x3FBC]  }
0x39: {  	_ = 	snop;
	(pc) =	sbr.ind lr, $3  }
0x3a: {  	_ = 	snop  }
0x3b: {  	_ = 	snop  }
0x3c: {  	p2 =	seq.s32 s10, $0x1;
	s10 =	sld [smem:$0x3FBB]  }
0x3d: {  	_ =	shalt  }
0x3e: {  	_ =	shalt  }
0x3f: {  	_ =	shalt  }
0x40: {  	_ =	shalt  }
0x41: {  	_ =	shalt  }
0x42: {  	_ =	shalt  }
0x43: {  	_ =	shalt  }
0x44: {  	_ =	shalt  }
0x45: {  	_ =	shalt  }
0x46: {  	_ =	shalt  }
0x47: {  	_ =	shalt  }
0x48: {  	_ =	shalt  }
0x49: {  	_ =	shalt  }
0x4a: {  	_ =	shalt  }
0x4b: {  	_ =	shalt  }
0x4c: {  	_ =	shalt  }
0x4d: {  	_ =	shalt  }
0x4e: {  	_ =	shalt  }
0x4f: {  	_ =	shalt  }
0x50: {  	_ =	shalt  }
0x51: {  	_ =	shalt  }
0x52: {  	_ =	shalt  }
0x53: {  	_ =	shalt  }
0x54: {  	_ =	shalt  }
0x55: {  	_ =	shalt  }
0x56: {  	_ =	shalt  }
0x57: {  	_ =	shalt  }
0x58: {  	_ =	shalt  }
0x59: {  	_ =	shalt  }
0x5a: {  	_ =	shalt  }
0x5b: {  	_ =	shalt  }
0x5c: {  	_ =	shalt  }
0x5d: {  	_ =	shalt  }
0x5e: {  	_ =	shalt  }
0x5f: {  	_ =	shalt  }
0x60: {  	_ =	shalt  }
0x61: {  	_ =	shalt  }
0x62: {  	_ =	shalt  }
0x63: {  	_ =	shalt  }
0x64: {  	_ =	shalt  }
0x65: {  	_ =	shalt  }
0x66: {  	_ =	shalt  }
0x67: {  	_ =	shalt  }
0x68: {  	_ =	shalt  }
0x69: {  	_ =	shalt  }
0x6a: {  	_ =	shalt  }
0x6b: {  	_ =	shalt  }
0x6c: {  	_ =	shalt  }
0x6d: {  	_ =	shalt  }
0x6e: {  	_ =	shalt  }
0x6f: {  	_ =	shalt  }
0x70: {  	_ =	shalt  }
0x71: {  	_ =	shalt  }
0x72: {  	_ =	shalt  }
0x73: {  	_ =	shalt  }
0x74: {  	_ =	shalt  }
0x75: {  	_ =	shalt  }
0x76: {  	_ =	shalt  }
0x77: {  	_ =	shalt  }
0x78: {  	_ =	shalt  }
0x79: {  	_ =	shalt  }
0x7a: {  	_ =	shalt  }
0x7b: {  	_ =	shalt  }
0x7c: {  	_ =	shalt  }
0x7d: {  	_ =	shalt  }
0x7e: {  	_ =	shalt  }
0x7f: {  	_ =	shalt  }
0x80: {  	_ =	shalt  }
0x81: {  	_ =	shalt  }
0x82: {  	_ =	shalt  }
0x83: {  	_ =	shalt  }
0x84: {  	_ =	shalt  }
0x85: {  	_ =	shalt  }
0x86: {  	_ =	shalt  }
0x87: {  	_ =	shalt  }
.Lfunc_end0:
.L_simem_size_0:
called_computation_lowered:
.L_overlay_start_0:
0x88: {  	s2 =	sld [smem:$0x3FD9]  }
0x89: {  	s3 =	sld [smem:$0x3FFE];
	_ =	sdelay $0x1  }
0x8a: {  	s1 =	srdreg.scid  }
0x8b: {  	s0 =	sand.u32 $0x1, s1  }
0x8c: {  	s15 =	sshll.u32 s0, $0xA;
	s2 =	sadd.s32 s3, s2  }
0x8d: {  	s2 =	sadd.s32 s2, s15  }
0x8e: {  	[smem:$0x3FC7] =	sst s2  }
0x8f: {  	_ = 	snop  }
0x90: {  	s2 =	sld [smem:$0x3FD0];
	_ =	sdelay $0x2  }
0x91: {  	s4 =	simm.s32 $0xA;
	s5 =	simm.s32 $0x10;
	s16 =	sld [smem:$0x3FC9]  }
0x92: {  	[smem:s5], [sflag:s4] =	dma.local [hbm:s2], $0x1  }
0x93: {  	_ =	swait.eq [sflag:s4], $0x1  }
0x94: {  	s17 =	sld [smem:$0x10];
	[sflag:s4] =	ssyncset.done $0x0  }
0x95: {  	s18 =	sld [smem:$0x11];
	[sflag:s4] =	ssyncadd.s32 $0xFFFFFFFF  }
0x96: {  	s19 =	sld [smem:$0x12];
	(tm) =	ssettm $0x1  }
0x97: {  	s6 =	sld [smem:$0x3FFB];
	_ =	sdelay $0x3  }
0x98: {  	_ =	strace s6  }
0x99: {  	s6 =	sld [smem:$0x3FFC];
	_ =	sdelay $0x3  }
0x9a: {  	_ =	strace s6  }
0x9b: {  	s6 =	sld [smem:$0x3FFD];
	_ =	sdelay $0x3  }
0x9c: {  	_ =	strace s6  }
0x9d: {  	_ =	strace $0x8FFFFFFF  }
0x9e: {  	s20 =	sld [smem:$0x3FDB];
	_ =	sdelay $0x1  }
0x9f: {  	s7 =	simm.s32 $_scs_section_size  }
0xa0: {  	s8 =	simm.s32 $_size__tile_overlayer_lowered;
	s9 =	simm.s32 $_tile_overlayer_lowered  }
0xa1: {  	s23 =	simm.s32 $0x1BFF;
	s22 =	sshll.u32 s9, $0x1;
	s6 =	sadd.s32 s7, s20  }
0xa2: {  	s10 =	simm.s32 $0x0;
	s21 =	sshll.u32 s8, $0x1;
	s8 =	sadd.s32 s22, s6  }
0xa3: {  	[timem:s10], [sflag:s23] =	dma.local [hbm:s8], s21  }
0xa4: {  	_ =	swait.ge [sflag:s23], s21  }
0xa5: {  	s7 =	ssub.s32 $0x0, s21;
	[sflag:s23] =	ssyncset.done $0x0  }
0xa6: {  	[sflag:s23] =	ssyncadd.s32 s7;
	_ =	sdelay $0x1  }
0xa7: {  	s24 =	simm.s32 $0x1B8B  }
0xa8: {  	_ =	swait.ge [sflag:s24], $0x1  }
0xa9: {  	[sflag:s24] =	ssyncset.done $0x0  }
0xaa: {  	s25 =	simm.s32 $0x1B8E;
	[sflag:s24] =	ssyncadd.s32 $0xFFFFFFFF  }
0xab: {  	s26 =	simm.s32 $execute0_lowered;
	[smem:$0x3FD2] =	sst s25  }
0xac: {  	s7 =	sshll.u32 s26, $0x1;
	_ =	strace $0x80000046;
	[dreg:$0x1] =	wrdreg $0xFFFFFFFF  }
0xad: {  	s28 =	simm.s32 $_size_execute0_lowered;
	s6 =	sadd.s32 s6, s7;
	[dreg:$0x0] =	wrdreg $0x0  }
0xae: {  	s7 =	sshll.u32 s28, $0x1;
	[dreg:$0x2] =	wrdreg s6  }
0xaf: {  	[dreg:$0x3] =	wrdreg s7  }
0xb0: {  	[dreg:$0x4] =	wrdreg $0xC0  }
0xb1: {  	_ =	task [dreg:s10], $0x5FFFF  }
0xb2: {  	[dreg:$0x1] =	wrdreg $0xFFFFFFFF  }
0xb3: {  	[dreg:$0x0] =	wrdreg $0x60  }
0xb4: {  	[dreg:$0x2] =	wrdreg s16  }
0xb5: {  	[dreg:$0x3] =	wrdreg s17  }
0xb6: {  	[dreg:$0x4] =	wrdreg s18  }
0xb7: {  	[dreg:$0x5] =	wrdreg s19  }
0xb8: {  	[dreg:$0x6] =	wrdreg $0x9  }
0xb9: {  	_ =	task.clear_ibuf [dreg:s10], $0x7FFFF;
	_ =	strace $0x90000046  }
0xba: {  	s29 =	simm.s32 $0x9;
	_ =	strace $0x80000048  }
0xbb: {  	_ =	swait.ge [sflag:s29], $0x1  }
0xbc: {  	[sflag:s29] =	ssyncadd.s32 $0xFFFFFFFF  }
0xbd: {  	_ =	strace $0x90000048  }
0xbe: {  	_ =	sfence  }
0xbf: {  	s30 =	sld [smem:$0x0];
	_ =	sdelay $0x2  }
0xc0: {  	s31 =	sshll.u32 s1, $0xD;
	s1 =	sshrl.u32 s1, $0x2  }
0xc1: {  	s3 =	sand.u32 $0x4000, s31;
	s1 =	sadd.s32 s1, s30  }
0xc2: {  	s0 =	sor.u32 s3, s0;
	s1 =	sshll.u32 s1, $0x11  }
0xc3: {  	s0 =	sor.u32 s1, s0  }
0xc4: {  	s0 =	sadd.s32 $0x8F2B, s0  }
0xc5: {  	[sflag:s0] =	ssyncadd.remote.s32 $0x1  }
0xc6: {  	_ =	sfence.sel $0xFFFF  }
0xc7: {  	[dreg:$0x0] =	wrdreg $0xFFFFFFFF;
	(pc) =	sbr.abs _section_cstart, $3  }
0xc8: {  	[dreg:$0x1] =	wrdreg $0xFFFFFFFF  }
0xc9: {  	_ =	task.clear_ibuf [dreg:s10], $0x2FFFF;
	_ =	strace $0x9FFFFFFF  }
0xca: {  	(tm) =	ssettm $0x7FFFFFFF  }
0xcb: {  	_ =	shalt  }
tec
execute0_lowered:
.L_overlay_start_1:
0x0: {  	(tag) =	ssettag $0x1  }
0x1: {  	s1 =	rddreg [dreg:$0x0]  }
0x2: {  	s2 =	rddreg [dreg:$0x1]  }
0x3: {  	s3 =	rddreg [dreg:$0x2]  }
0x4: {  	s0 =	srdreg.scid;
	s4 =	rddreg [dreg:$0x3];
	s6 =	simm.s32 $0x0  }
0x5: {  	s5 =	stileid.u32;
	s12 =	simm.s32 $0x400;
	s13 =	simm.s32 $0x1  }
0x6: {  	s14 =	simm.s32 $0x1C000;
	s15 =	simm.s32 $0x1D000;
	s16 =	simm.s32 $0x8000  }
0x7: {  	s17 =	simm.s32 $0x1E000;
	s18 =	simm.s32 $0x1E800;
	s19 =	simm.s32 $0x10000  }
0x8: {  	s20 =	simm.s32 $0x18000;
	s7 =	sand.u32 $0x1, s0;
	s0 =	rddreg [dreg:$0x4]  }
0x9: {  	s21 =	simm.s32 $0x0;
	[smem:$0x7FF] =	sst s6;
	s31 =	sshrl.u32 s5, $0x1  }
0xa: {  	s10 =	sshll.u32 s5, $0x9;
	s8 =	ssub.s32 $0x2, s7;
	_ =	strace $0x80000047  }
0xb: {  	s11 =	sshll.u32 s7, $0x8;
	s10 =	sand.u32 $0x200, s10;
	s9 =	sshrl.u32 s8, $0x1  }
0xc: {  	v0 =	vlaneseq.u32;
	s7 =	sshll.u32 s31, $0x12;
	s10 =	sor.u32 s11, s10;
	s9 =	ssub.s32 s8, s9  }
0xd: {  	v1 =	vimm.s32 $0x0;
	v3 =	vimm.f32 $0.0e+00;
	v2 =	vor.u32 $0x4000, v0;
	s11 =	simm.s32 $0x80;
	s8 =	sshll.u32 s31, $0x11;
	s9 =	smax.u32 s9, $0x1  }
.LBB2_1:
0xe: {  	p1 =	por $0x1, $0x1;
	s24 =	simm.s32 $0x0  }
.LBB2_2:
0xf: {  	s23 =	sor.u32 s10, s24  }
0x10: {  	s22 =	sor.u32 s7, s23  }
0x11: {  	s22 =	sshrl.u32 s22, $0x3  }
0x12: {  	s31 =	sadd.s32 s1, s22  }
0x13: {  	[tilespmem:s6], [sflag:$0x1] =	stream.strided.gather [hbm4b:s31+s11], $0x8000, s12, s11, $0x38;
	[tilespmem:$0x1F000] =	vst v63  }
0x14: {  	_ =	swait.ge [sflag:s13], $0x8000  }
0x15: {  	[sflag:s13] =	ssyncset.done $0x0  }
0x16: {  	s24 =	simm.s32 $0x1C040;
	[sflag:s13] =	ssyncadd.s32 $0xFFFF8000  }
0x17: {  	[tilespmem:s24+$0x30] =	vst v1  }
0x18: {  	[tilespmem:s24+$0xFFFFFFF0] =	vst v1  }
0x19: {  	[tilespmem:s24+$0xFFFFFFC0] =	vst v1  }
0x1a: {  	[tilespmem:s24+$0xFFFFFFE0] =	vst v1  }
0x1b: {  	[tilespmem:s24+$0x10] =	vst v1  }
0x1c: {  	[tilespmem:s24+$0x20] =	vst v1  }
0x1d: {  	[tilespmem:s24+$0x0] =	vst v1  }
0x1e: {  	s25 =	simm.s32 $0x1D040;
	[tilespmem:s24+$0xFFFFFFD0] =	vst v1  }
0x1f: {  	[tilespmem:s25+$0xFFFFFFC0] =	vst v1  }
0x20: {  	[tilespmem:s25+$0x30] =	vst v1  }
0x21: {  	[tilespmem:s25+$0x20] =	vst v1  }
0x22: {  	[tilespmem:s25+$0x10] =	vst v1  }
0x23: {  	[tilespmem:s25+$0xFFFFFFE0] =	vst v1  }
0x24: {  	p0 =	por p1, p1;
	[tilespmem:s25+$0x0] =	vst v1  }
0x25: {  	s26 =	simm.s32 $0x0;
	s29 =	simm.s32 $0x1E040;
	s28 =	simm.s32 $0x1E840;
	[tilespmem:s25+$0xFFFFFFF0] =	vst v1  }
.LBB2_3:
0x26: {  	s26 =	sadd.s32 $0x8, s26;
	[tilespmem:s25+$0xFFFFFFD0] =	vst v1;
	s24 =	sadd.s32 $0x80, s24;
	s25 =	sadd.s32 $0x80, s25  }
0x27: {  	[tilespmem:s24+$0x30] =	vst v1;
	p1 =	slt.u32 s26, $0xF8  }
0x28: {  	[tilespmem:s24+$0xFFFFFFF0] =	vst v1  }
0x29: {  	[tilespmem:s24+$0xFFFFFFC0] =	vst v1  }
0x2a: {  	[tilespmem:s25+$0xFFFFFFC0] =	vst v1  }
0x2b: {  	[tilespmem:s25+$0x30] =	vst v1  }
0x2c: {  	[tilespmem:s24+$0xFFFFFFE0] =	vst v1  }
0x2d: {  	[tilespmem:s24+$0x10] =	vst v1  }
0x2e: {  	[tilespmem:s24+$0x20] =	vst v1  }
0x2f: {  	[tilespmem:s25+$0x20] =	vst v1  }
0x30: {  	[tilespmem:s25+$0x10] =	vst v1  }
.Ltmp0:
0x31: {  	[tilespmem:s25+$0xFFFFFFE0] =	vst v1;
	(pc) =	sbr.rel @p1 .LBB2_3-.Ltmp0, $4  }
0x32: {  	[tilespmem:s24+$0x0] =	vst v1  }
0x33: {  	[tilespmem:s25+$0x0] =	vst v1  }
0x34: {  	[tilespmem:s25+$0xFFFFFFF0] =	vst v1  }
0x35: {  	[tilespmem:s24+$0xFFFFFFD0] =	vst v1  }
0x36: {  	[tilespmem:s25+$0xFFFFFFD0] =	vst v1  }
0x37: {  	[tilespmem:s29+$0x30] =	vst v1  }
0x38: {  	[tilespmem:s29+$0xFFFFFFF0] =	vst v1  }
0x39: {  	[tilespmem:s29+$0xFFFFFFC0] =	vst v1  }
0x3a: {  	[tilespmem:s29+$0xFFFFFFE0] =	vst v1  }
0x3b: {  	[tilespmem:s29+$0x10] =	vst v1  }
0x3c: {  	[tilespmem:s29+$0x20] =	vst v1  }
0x3d: {  	[tilespmem:s29+$0x0] =	vst v1  }
0x3e: {  	[tilespmem:s29+$0xFFFFFFD0] =	vst v1  }
0x3f: {  	[tilespmem:s28+$0xFFFFFFC0] =	vst v1  }
0x40: {  	[tilespmem:s28+$0x30] =	vst v1  }
0x41: {  	[tilespmem:s28+$0x20] =	vst v1  }
0x42: {  	[tilespmem:s28+$0x10] =	vst v1  }
0x43: {  	[tilespmem:s28+$0xFFFFFFE0] =	vst v1  }
0x44: {  	[tilespmem:s28+$0x0] =	vst v1  }
0x45: {  	s30 =	simm.s32 $0x0;
	s25 =	simm.s32 $0xFFFFFFFC;
	s26 =	simm.s32 $0x4030;
	[tilespmem:s28+$0xFFFFFFF0] =	vst v1  }
.LBB2_5:
0x46: {  	s30 =	sadd.s32 $0x8, s30;
	[tilespmem:s28+$0xFFFFFFD0] =	vst v1;
	s29 =	sadd.s32 $0x80, s29;
	s28 =	sadd.s32 $0x80, s28  }
0x47: {  	[tilespmem:s29+$0x30] =	vst v1;
	p1 =	slt.u32 s30, $0x78  }
0x48: {  	[tilespmem:s29+$0xFFFFFFF0] =	vst v1  }
0x49: {  	[tilespmem:s29+$0xFFFFFFC0] =	vst v1  }
0x4a: {  	[tilespmem:s28+$0xFFFFFFC0] =	vst v1  }
0x4b: {  	[tilespmem:s28+$0x30] =	vst v1  }
0x4c: {  	[tilespmem:s29+$0xFFFFFFE0] =	vst v1  }
0x4d: {  	[tilespmem:s29+$0x10] =	vst v1  }
0x4e: {  	[tilespmem:s29+$0x20] =	vst v1  }
0x4f: {  	[tilespmem:s28+$0x20] =	vst v1  }
0x50: {  	[tilespmem:s28+$0x10] =	vst v1  }
.Ltmp1:
0x51: {  	[tilespmem:s28+$0xFFFFFFE0] =	vst v1;
	(pc) =	sbr.rel @p1 .LBB2_5-.Ltmp1, $4  }
0x52: {  	[tilespmem:s29+$0x0] =	vst v1  }
0x53: {  	[tilespmem:s28+$0x0] =	vst v1  }
0x54: {  	[tilespmem:s28+$0xFFFFFFF0] =	vst v1  }
0x55: {  	s24 =	simm.s32 $0x0;
	[tilespmem:s29+$0xFFFFFFD0] =	vst v1  }
0x56: {  	[tilespmem:s28+$0xFFFFFFD0] =	vst v1;
	s28 =	simm.s32 $0x0  }
.LBB2_7:
0x57: {  	v4 =	vld [tilespmem:s26+$0xFFFFBFD0];
	s29 =	sand.u32 $0x3FC0, s28  }
0x58: {  	v5 =	vld [tilespmem:s29+$0x4000];
	_ =	sdelay $0x3  }
0x59: {  	v4 =	vmul.f32 $8.388608000e+06, v4  }
0x5a: {  	v5 =	vmul.f32 $8.388608000e+06, v5  }
0x5b: {  	v4 =	vtrunc.f32 v4  }
0x5c: {  	v4 =	vcvt.f32.s32 v4;
	v5 =	vtrunc.f32 v5  }
0x5d: {  	v5 =	vcvt.f32.s32 v5  }
0x5e: {  	v4 =	vand.u32 $0xFFF, v4  }
0x5f: {  	v5 =	vand.u32 $0xFFF, v5;
	(xrf1) =	vunique.msk.u32 $0xffff, v4  }
0x60: {  	(xrf1) =	vunique.msk.u32 $0xffff, v5;
	_ =	sdelay $0xc  }
0x61: {  	_, v6, vm0 =	vpop (xrf1)  }
0x62: {  	_, v7, vm1 =	vpop (xrf1);
	_ =	sdelay $0x4  }
0x63: {  	[tilespmem:v4+s14+$0x0] =	vst.idx.add.s32.msk vm0, v6  }
0x64: {  	[tilespmem:v5+s15+$0x0] =	vst.idx.add.s32.msk vm1, v7  }
0x65: {  	v4 =	vld [tilespmem:s26+$0xFFFFBFE0]  }
0x66: {  	v5 =	vld [tilespmem:s26+$0xFFFFFFE0];
	_ =	sdelay $0x3  }
0x67: {  	v4 =	vmul.f32 $8.388608000e+06, v4  }
0x68: {  	v5 =	vmul.f32 $8.388608000e+06, v5  }
0x69: {  	v4 =	vtrunc.f32 v4  }
0x6a: {  	v5 =	vtrunc.f32 v5;
	v4 =	vcvt.f32.s32 v4  }
0x6b: {  	v5 =	vcvt.f32.s32 v5  }
0x6c: {  	v4 =	vand.u32 $0xFFF, v4  }
0x6d: {  	v5 =	vand.u32 $0xFFF, v5;
	(xrf1) =	vunique.msk.u32 $0xffff, v4  }
0x6e: {  	(xrf1) =	vunique.msk.u32 $0xffff, v5;
	_ =	sdelay $0xc  }
0x6f: {  	_, v6, vm0 =	vpop (xrf1)  }
0x70: {  	_, v7, vm1 =	vpop (xrf1);
	_ =	sdelay $0x4  }
0x71: {  	[tilespmem:v4+s14+$0x0] =	vst.idx.add.s32.msk vm0, v6  }
0x72: {  	[tilespmem:v5+s15+$0x0] =	vst.idx.add.s32.msk vm1, v7  }
0x73: {  	v4 =	vld [tilespmem:s26+$0xFFFFBFF0]  }
0x74: {  	v5 =	vld [tilespmem:s26+$0xFFFFFFF0];
	_ =	sdelay $0x3  }
0x75: {  	v4 =	vmul.f32 $8.388608000e+06, v4  }
0x76: {  	v5 =	vmul.f32 $8.388608000e+06, v5  }
0x77: {  	v4 =	vtrunc.f32 v4  }
0x78: {  	v5 =	vtrunc.f32 v5;
	v4 =	vcvt.f32.s32 v4  }
0x79: {  	v5 =	vcvt.f32.s32 v5  }
0x7a: {  	v4 =	vand.u32 $0xFFF, v4  }
0x7b: {  	v5 =	vand.u32 $0xFFF, v5;
	(xrf1) =	vunique.msk.u32 $0xffff, v4  }
0x7c: {  	(xrf1) =	vunique.msk.u32 $0xffff, v5;
	_ =	sdelay $0xc  }
0x7d: {  	_, v6, vm0 =	vpop (xrf1)  }
0x7e: {  	_, v7, vm1 =	vpop (xrf1);
	_ =	sdelay $0x4  }
0x7f: {  	[tilespmem:v4+s14+$0x0] =	vst.idx.add.s32.msk vm0, v6  }
0x80: {  	[tilespmem:v5+s15+$0x0] =	vst.idx.add.s32.msk vm1, v7  }
0x81: {  	v4 =	vld [tilespmem:s26+$0xFFFFC000]  }
0x82: {  	v5 =	vld [tilespmem:s26+$0x0];
	_ =	sdelay $0x3  }
0x83: {  	v4 =	vmul.f32 $8.388608000e+06, v4  }
0x84: {  	v5 =	vmul.f32 $8.388608000e+06, v5  }
0x85: {  	v4 =	vtrunc.f32 v4  }
0x86: {  	v5 =	vtrunc.f32 v5;
	v4 =	vcvt.f32.s32 v4  }
0x87: {  	v5 =	vcvt.f32.s32 v5  }
0x88: {  	v4 =	vand.u32 $0xFFF, v4  }
0x89: {  	v5 =	vand.u32 $0xFFF, v5;
	(xrf1) =	vunique.msk.u32 $0xffff, v4  }
0x8a: {  	(xrf1) =	vunique.msk.u32 $0xffff, v5;
	_ =	sdelay $0xc  }
0x8b: {  	_, v6, vm0 =	vpop (xrf1)  }
0x8c: {  	s25 =	sadd.s32 $0x4, s25;
	_, v7, vm1 =	vpop (xrf1)  }
0x8d: {  	p1 =	slt.u32 s25, $0x3FC  }
.Ltmp2:
0x8e: {  	_ = 	snop;
	(pc) =	sbr.rel @p1 .LBB2_7-.Ltmp2, $3  }
0x8f: {  	_ =	sdelay $0x1  }
0x90: {  	[tilespmem:v4+s14+$0x0] =	vst.idx.add.s32.msk vm0, v6  }
0x91: {  	s28 =	sadd.s32 $0x40, s28;
	s26 =	sadd.s32 $0x40, s26;
	[tilespmem:v5+s15+$0x0] =	vst.idx.add.s32.msk vm1, v7  }
0x92: {  	s26 =	simm.s32 $0x0  }
0x93: {  	v4 =	vld [tilespmem:s26+$0x1C000]  }
0x94: {  	v5 =	vld [tilespmem:s26+$0x1D000];
	_ =	sdelay $0x4  }
0x95: {  	v5 =	vadd.s32 v4, v5  }
0x96: {  	(xrf0) =	vadd.scan.msk.s32 $0xffff, v5;
	_ =	sdelay $0x5  }
0x97: {  	v6, _, _ =	vpop (xrf0)  }
0x98: {  	v5 =	vsub.s32 v6, v5;
	(v2sf) =	vpush v6, $0xF  }
0x99: {  	v5 =	vadd.s32 s24, v5  }
0x9a: {  	s25 =	simm.s32 $0x10;
	[tilespmem:s26+$0x1C000] =	vst v5;
	v5 =	vadd.s32 v4, v5  }
0x9b: {  	v4 =	vld [tilespmem:s25+$0x1C000];
	[tilespmem:s26+$0x1D000] =	vst v5  }
0x9c: {  	v5 =	vld [tilespmem:s25+$0x1D000];
	_ =	sdelay $0x4  }
0x9d: {  	v5 =	vadd.s32 v4, v5  }
0x9e: {  	s26 =	simm.s32 $0x80;
	(xrf0) =	vadd.scan.msk.s32 $0xffff, v5  }
.LBB2_9:
0x9f: {  	_ =	sdelay $0x2  }
0xa0: {  	p1 =	sne.s32 s26, $0x3FC0  }
0xa1: {  	s29 =	smov.u32 s26;
	s26 =	sadd.s32 $0x40, s26;
	s28 =	spop (v2sf)  }
0xa2: {  	v6, _, _ =	vpop (xrf0);
	s24 =	sadd.s32 s24, s28  }
0xa3: {  	v5 =	vsub.s32 v6, v5;
	(v2sf) =	vpush v6, $0xF  }
0xa4: {  	v5 =	vadd.s32 s24, v5  }
0xa5: {  	s28 =	sshra.s32 s29, $0x2;
	[tilespmem:s25+$0x1C000] =	vst v5;
	v5 =	vadd.s32 v4, v5  }
0xa6: {  	v4 =	vld [tilespmem:s28+$0x1C000];
	[tilespmem:s25+$0x1D000] =	vst v5;
	s25 =	smov.u32 s28  }
0xa7: {  	v5 =	vld [tilespmem:s25+$0x1D000];
	_ =	sdelay $0x1  }
.Ltmp3:
0xa8: {  	(pc) =	sbr.rel @p1 .LBB2_9-.Ltmp3, $3  }
0xa9: {  	_ =	sdelay $0x1  }
0xaa: {  	v5 =	vadd.s32 v4, v5  }
0xab: {  	(xrf0) =	vadd.scan.msk.s32 $0xffff, v5  }
0xac: {  	_ =	sdelay $0x4  }
0xad: {  	v6, _, _ =	vpop (xrf0)  }
0xae: {  	(v2sf) =	vpush v6, $0xF;
	_ =	sdelay $0xa  }
0xaf: {  	s26 =	spop (v2sf)  }
0xb0: {  	s24 =	sadd.s32 s24, s26;
	v5 =	vsub.s32 v6, v5  }
0xb1: {  	v5 =	vadd.s32 s24, v5  }
0xb2: {  	s26 =	simm.s32 $0x4070;
	[tilespmem:s25+$0x1C000] =	vst v5;
	v4 =	vadd.s32 v4, v5  }
0xb3: {  	s24 =	simm.s32 $0xFFFFFFF8;
	[tilespmem:s25+$0x1D000] =	vst v4;
	s25 =	simm.s32 $0x70;
	s31 =	spop (v2sf)  }
.LBB2_11:
0xb4: {  	v4 =	vld [tilespmem:s26+$0xFFFFBF90];
	_ =	sdelay $0x4  }
0xb5: {  	v4 =	vmul.f32 $8.388608000e+06, v4;
	_ =	sdelay $0x1  }
0xb6: {  	v4 =	vtrunc.f32 v4  }
0xb7: {  	v4 =	vcvt.f32.s32 v4;
	_ =	sdelay $0x1  }
0xb8: {  	v5 =	vand.u32 $0xFFF, v4  }
0xb9: {  	(xrf1) =	vunique.msk.u32 $0xffff, v5;
	_ =	sdelay $0x1  }
0xba: {  	v6 =	vld [tilespmem:s26+$0xFFFFFF90];
	_ =	sdelay $0x4  }
0xbb: {  	v6 =	vmul.f32 $8.388608000e+06, v6;
	_ =	sdelay $0x1  }
0xbc: {  	v6 =	vtrunc.f32 v6  }
0xbd: {  	v6 =	vcvt.f32.s32 v6;
	v7 =	vld.idx.msk [tilespmem:v5+s14+$0x0], $0xffff;
	_ =	sdelay $0x1  }
0xbe: {  	v8 =	vand.u32 $0xFFF, v6  }
0xbf: {  	(xrf1) =	vunique.msk.u32 $0xffff, v8  }
0xc0: {  	_, v9, vm0 =	vpop (xrf1)  }
0xc1: {  	v7 =	vadd.s32 v7, v9  }
0xc2: {  	v9 =	vadd.s32 $0xFFFFFFFF, v7  }
0xc3: {  	v4 =	vshll.u32 v4, $0x3  }
0xc4: {  	s28 =	sadd.s32 $0xFFFFFF90, s25;
	v4 =	vand.u32 $0xFFFF8000, v4  }
0xc5: {  	v4 =	vor.u32 s28, v4  }
0xc6: {  	v4 =	vor.u32 v0, v4  }
0xc7: {  	[tilespmem:v9+s16+$0x0] =	vst.idx.msk $0xffff, v4  }
0xc8: {  	[tilespmem:v5+s14+$0x0] =	vst.idx.msk vm0, v7  }
0xc9: {  	v4 =	vld.idx.msk [tilespmem:v8+s15+$0x0], $0xffff;
	_ =	sdelay $0x3  }
0xca: {  	_, v5, vm0 =	vpop (xrf1)  }
0xcb: {  	v4 =	vadd.s32 v4, v5  }
0xcc: {  	v5 =	vadd.s32 $0xFFFFFFFF, v4  }
0xcd: {  	v6 =	vshll.u32 v6, $0x3  }
0xce: {  	v6 =	vand.u32 $0xFFFF8000, v6  }
0xcf: {  	v6 =	vor.u32 s28, v6  }
0xd0: {  	v6 =	vor.u32 v2, v6  }
0xd1: {  	[tilespmem:v5+s16+$0x0] =	vst.idx.msk $0xffff, v6  }
0xd2: {  	[tilespmem:v8+s15+$0x0] =	vst.idx.msk vm0, v4  }
0xd3: {  	v4 =	vld [tilespmem:s26+$0xFFFFBFA0];
	_ =	sdelay $0x4  }
0xd4: {  	v4 =	vmul.f32 $8.388608000e+06, v4;
	_ =	sdelay $0x1  }
0xd5: {  	v4 =	vtrunc.f32 v4  }
0xd6: {  	v4 =	vcvt.f32.s32 v4;
	_ =	sdelay $0x1  }
0xd7: {  	v5 =	vand.u32 $0xFFF, v4  }
0xd8: {  	(xrf1) =	vunique.msk.u32 $0xffff, v5;
	_ =	sdelay $0x1  }
0xd9: {  	v6 =	vld [tilespmem:s26+$0xFFFFFFA0];
	_ =	sdelay $0x4  }
0xda: {  	v6 =	vmul.f32 $8.388608000e+06, v6;
	_ =	sdelay $0x1  }
0xdb: {  	v6 =	vtrunc.f32 v6  }
0xdc: {  	v6 =	vcvt.f32.s32 v6;
	v7 =	vld.idx.msk [tilespmem:v5+s14+$0x0], $0xffff;
	_ =	sdelay $0x1  }
0xdd: {  	v50 =	vand.u32 $0xFFF, v6  }
0xde: {  	(xrf1) =	vunique.msk.u32 $0xffff, v50  }
0xdf: {  	_, v51, vm9 =	vpop (xrf1)  }
0xe0: {  	v7 =	vadd.s32 v7, v51  }
0xe1: {  	v9 =	vadd.s32 $0xFFFFFFFF, v7  }
0xe2: {  	v4 =	vshll.u32 v4, $0x3  }
0xe3: {  	s28 =	sadd.s32 $0xFFFFFFA0, s25;
	v4 =	vand.u32 $0xFFFF8000, v4  }
0xe4: {  	v4 =	vor.u32 s28, v4  }
0xe5: {  	v4 =	vor.u32 v0, v4  }
0xe6: {  	[tilespmem:v9+s16+$0x0] =	vst.idx.msk $0xffff, v4  }
0xe7: {  	[tilespmem:v5+s14+$0x0] =	vst.idx.msk vm9, v7  }
0xe8: {  	v4 =	vld.idx.msk [tilespmem:v50+s15+$0x0], $0xffff;
	_ =	sdelay $0x3  }
0xe9: {  	_, v5, vm0 =	vpop (xrf1)  }
0xea: {  	v4 =	vadd.s32 v4, v5  }
0xeb: {  	v5 =	vadd.s32 $0xFFFFFFFF, v4  }
0xec: {  	v6 =	vshll.u32 v6, $0x3  }
0xed: {  	v6 =	vand.u32 $0xFFFF8000, v6  }
0xee: {  	v6 =	vor.u32 s28, v6  }
0xef: {  	v6 =	vor.u32 v2, v6  }
0xf0: {  	[tilespmem:v5+s16+$0x0] =	vst.idx.msk $0xffff, v6  }
0xf1: {  	[tilespmem:v50+s15+$0x0] =	vst.idx.msk vm0, v4  }
0xf2: {  	v4 =	vld [tilespmem:s26+$0xFFFFBFB0];
	_ =	sdelay $0x4  }
0xf3: {  	v4 =	vmul.f32 $8.388608000e+06, v4;
	_ =	sdelay $0x1  }
0xf4: {  	v4 =	vtrunc.f32 v4  }
0xf5: {  	v4 =	vcvt.f32.s32 v4;
	_ =	sdelay $0x1  }
0xf6: {  	v5 =	vand.u32 $0xFFF, v4  }
0xf7: {  	(xrf1) =	vunique.msk.u32 $0xffff, v5;
	_ =	sdelay $0x1  }
0xf8: {  	v6 =	vld [tilespmem:s26+$0xFFFFFFB0];
	_ =	sdelay $0x4  }
0xf9: {  	v6 =	vmul.f32 $8.388608000e+06, v6;
	_ =	sdelay $0x1  }
0xfa: {  	v6 =	vtrunc.f32 v6  }
0xfb: {  	v6 =	vcvt.f32.s32 v6;
	v7 =	vld.idx.msk [tilespmem:v5+s14+$0x0], $0xffff;
	_ =	sdelay $0x1  }
0xfc: {  	v52 =	vand.u32 $0xFFF, v6  }
0xfd: {  	(xrf1) =	vunique.msk.u32 $0xffff, v52  }
0xfe: {  	_, v53, vm10 =	vpop (xrf1)  }
0xff: {  	v7 =	vadd.s32 v7, v53  }
0x100: {  	v9 =	vadd.s32 $0xFFFFFFFF, v7  }
0x101: {  	v4 =	vshll.u32 v4, $0x3  }
0x102: {  	s28 =	sadd.s32 $0xFFFFFFB0, s25;
	v4 =	vand.u32 $0xFFFF8000, v4  }
0x103: {  	v4 =	vor.u32 s28, v4  }
0x104: {  	v4 =	vor.u32 v0, v4  }
0x105: {  	[tilespmem:v9+s16+$0x0] =	vst.idx.msk $0xffff, v4  }
0x106: {  	[tilespmem:v5+s14+$0x0] =	vst.idx.msk vm10, v7  }
0x107: {  	v4 =	vld.idx.msk [tilespmem:v52+s15+$0x0], $0xffff;
	_ =	sdelay $0x3  }
0x108: {  	_, v5, vm0 =	vpop (xrf1)  }
0x109: {  	v4 =	vadd.s32 v4, v5  }
0x10a: {  	v5 =	vadd.s32 $0xFFFFFFFF, v4  }
0x10b: {  	v6 =	vshll.u32 v6, $0x3  }
0x10c: {  	v6 =	vand.u32 $0xFFFF8000, v6  }
0x10d: {  	v6 =	vor.u32 s28, v6  }
0x10e: {  	v6 =	vor.u32 v2, v6  }
0x10f: {  	[tilespmem:v5+s16+$0x0] =	vst.idx.msk $0xffff, v6  }
0x110: {  	[tilespmem:v52+s15+$0x0] =	vst.idx.msk vm0, v4  }
0x111: {  	v4 =	vld [tilespmem:s26+$0xFFFFBFC0];
	_ =	sdelay $0x4  }
0x112: {  	v4 =	vmul.f32 $8.388608000e+06, v4;
	_ =	sdelay $0x1  }
0x113: {  	v4 =	vtrunc.f32 v4  }
0x114: {  	v4 =	vcvt.f32.s32 v4;
	_ =	sdelay $0x1  }
0x115: {  	v5 =	vand.u32 $0xFFF, v4  }
0x116: {  	(xrf1) =	vunique.msk.u32 $0xffff, v5;
	_ =	sdelay $0x1  }
0x117: {  	v6 =	vld [tilespmem:s26+$0xFFFFFFC0];
	_ =	sdelay $0x4  }
0x118: {  	v6 =	vmul.f32 $8.388608000e+06, v6;
	_ =	sdelay $0x1  }
0x119: {  	v6 =	vtrunc.f32 v6  }
0x11a: {  	v6 =	vcvt.f32.s32 v6;
	v7 =	vld.idx.msk [tilespmem:v5+s14+$0x0], $0xffff;
	_ =	sdelay $0x1  }
0x11b: {  	v54 =	vand.u32 $0xFFF, v6  }
0x11c: {  	(xrf1) =	vunique.msk.u32 $0xffff, v54  }
0x11d: {  	_, v55, vm11 =	vpop (xrf1)  }
0x11e: {  	v7 =	vadd.s32 v7, v55  }
0x11f: {  	v9 =	vadd.s32 $0xFFFFFFFF, v7  }
0x120: {  	v4 =	vshll.u32 v4, $0x3  }
0x121: {  	s28 =	sadd.s32 $0xFFFFFFC0, s25;
	v4 =	vand.u32 $0xFFFF8000, v4  }
0x122: {  	v4 =	vor.u32 s28, v4  }
0x123: {  	v4 =	vor.u32 v0, v4  }
0x124: {  	[tilespmem:v9+s16+$0x0] =	vst.idx.msk $0xffff, v4  }
0x125: {  	[tilespmem:v5+s14+$0x0] =	vst.idx.msk vm11, v7  }
0x126: {  	v4 =	vld.idx.msk [tilespmem:v54+s15+$0x0], $0xffff;
	_ =	sdelay $0x3  }
0x127: {  	_, v5, vm0 =	vpop (xrf1)  }
0x128: {  	v4 =	vadd.s32 v4, v5  }
0x129: {  	v5 =	vadd.s32 $0xFFFFFFFF, v4  }
0x12a: {  	v6 =	vshll.u32 v6, $0x3  }
0x12b: {  	v6 =	vand.u32 $0xFFFF8000, v6  }
0x12c: {  	v6 =	vor.u32 s28, v6  }
0x12d: {  	v6 =	vor.u32 v2, v6  }
0x12e: {  	[tilespmem:v5+s16+$0x0] =	vst.idx.msk $0xffff, v6  }
0x12f: {  	[tilespmem:v54+s15+$0x0] =	vst.idx.msk vm0, v4  }
0x130: {  	v4 =	vld [tilespmem:s26+$0xFFFFBFD0];
	_ =	sdelay $0x4  }
0x131: {  	v4 =	vmul.f32 $8.388608000e+06, v4;
	_ =	sdelay $0x1  }
0x132: {  	v4 =	vtrunc.f32 v4  }
0x133: {  	v4 =	vcvt.f32.s32 v4;
	_ =	sdelay $0x1  }
0x134: {  	v5 =	vand.u32 $0xFFF, v4  }
0x135: {  	(xrf1) =	vunique.msk.u32 $0xffff, v5;
	_ =	sdelay $0x1  }
0x136: {  	v6 =	vld [tilespmem:s26+$0xFFFFFFD0];
	_ =	sdelay $0x4  }
0x137: {  	v6 =	vmul.f32 $8.388608000e+06, v6;
	_ =	sdelay $0x1  }
0x138: {  	v6 =	vtrunc.f32 v6  }
0x139: {  	v6 =	vcvt.f32.s32 v6;
	v7 =	vld.idx.msk [tilespmem:v5+s14+$0x0], $0xffff;
	_ =	sdelay $0x1  }
0x13a: {  	v56 =	vand.u32 $0xFFF, v6  }
0x13b: {  	(xrf1) =	vunique.msk.u32 $0xffff, v56  }
0x13c: {  	_, v57, vm12 =	vpop (xrf1)  }
0x13d: {  	v7 =	vadd.s32 v7, v57  }
0x13e: {  	v9 =	vadd.s32 $0xFFFFFFFF, v7  }
0x13f: {  	v4 =	vshll.u32 v4, $0x3  }
0x140: {  	s28 =	sadd.s32 $0xFFFFFFD0, s25;
	v4 =	vand.u32 $0xFFFF8000, v4  }
0x141: {  	v4 =	vor.u32 s28, v4  }
0x142: {  	v4 =	vor.u32 v0, v4  }
0x143: {  	[tilespmem:v9+s16+$0x0] =	vst.idx.msk $0xffff, v4  }
0x144: {  	[tilespmem:v5+s14+$0x0] =	vst.idx.msk vm12, v7  }
0x145: {  	v4 =	vld.idx.msk [tilespmem:v56+s15+$0x0], $0xffff;
	_ =	sdelay $0x3  }
0x146: {  	_, v5, vm0 =	vpop (xrf1)  }
0x147: {  	v4 =	vadd.s32 v4, v5  }
0x148: {  	v5 =	vadd.s32 $0xFFFFFFFF, v4  }
0x149: {  	v6 =	vshll.u32 v6, $0x3  }
0x14a: {  	v6 =	vand.u32 $0xFFFF8000, v6  }
0x14b: {  	v6 =	vor.u32 s28, v6  }
0x14c: {  	v6 =	vor.u32 v2, v6  }
0x14d: {  	[tilespmem:v5+s16+$0x0] =	vst.idx.msk $0xffff, v6  }
0x14e: {  	[tilespmem:v56+s15+$0x0] =	vst.idx.msk vm0, v4  }
0x14f: {  	v4 =	vld [tilespmem:s26+$0xFFFFBFE0];
	_ =	sdelay $0x4  }
0x150: {  	v4 =	vmul.f32 $8.388608000e+06, v4;
	_ =	sdelay $0x1  }
0x151: {  	v4 =	vtrunc.f32 v4  }
0x152: {  	v4 =	vcvt.f32.s32 v4;
	_ =	sdelay $0x1  }
0x153: {  	v5 =	vand.u32 $0xFFF, v4  }
0x154: {  	(xrf1) =	vunique.msk.u32 $0xffff, v5;
	_ =	sdelay $0x1  }
0x155: {  	v6 =	vld [tilespmem:s26+$0xFFFFFFE0];
	_ =	sdelay $0x4  }
0x156: {  	v6 =	vmul.f32 $8.388608000e+06, v6;
	_ =	sdelay $0x1  }
0x157: {  	v6 =	vtrunc.f32 v6  }
0x158: {  	v6 =	vcvt.f32.s32 v6;
	v7 =	vld.idx.msk [tilespmem:v5+s14+$0x0], $0xffff;
	_ =	sdelay $0x1  }
0x159: {  	v58 =	vand.u32 $0xFFF, v6  }
0x15a: {  	(xrf1) =	vunique.msk.u32 $0xffff, v58  }
0x15b: {  	_, v59, vm13 =	vpop (xrf1)  }
0x15c: {  	v7 =	vadd.s32 v7, v59  }
0x15d: {  	v9 =	vadd.s32 $0xFFFFFFFF, v7  }
0x15e: {  	v4 =	vshll.u32 v4, $0x3  }
0x15f: {  	s28 =	sadd.s32 $0xFFFFFFE0, s25;
	v4 =	vand.u32 $0xFFFF8000, v4  }
0x160: {  	v4 =	vor.u32 s28, v4  }
0x161: {  	v4 =	vor.u32 v0, v4  }
0x162: {  	[tilespmem:v9+s16+$0x0] =	vst.idx.msk $0xffff, v4  }
0x163: {  	[tilespmem:v5+s14+$0x0] =	vst.idx.msk vm13, v7  }
0x164: {  	v4 =	vld.idx.msk [tilespmem:v58+s15+$0x0], $0xffff;
	_ =	sdelay $0x3  }
0x165: {  	_, v5, vm0 =	vpop (xrf1)  }
0x166: {  	v4 =	vadd.s32 v4, v5  }
0x167: {  	v5 =	vadd.s32 $0xFFFFFFFF, v4  }
0x168: {  	v6 =	vshll.u32 v6, $0x3  }
0x169: {  	v6 =	vand.u32 $0xFFFF8000, v6  }
0x16a: {  	v6 =	vor.u32 s28, v6  }
0x16b: {  	v6 =	vor.u32 v2, v6  }
0x16c: {  	[tilespmem:v5+s16+$0x0] =	vst.idx.msk $0xffff, v6  }
0x16d: {  	[tilespmem:v58+s15+$0x0] =	vst.idx.msk vm0, v4  }
0x16e: {  	v4 =	vld [tilespmem:s26+$0xFFFFBFF0];
	_ =	sdelay $0x4  }
0x16f: {  	v4 =	vmul.f32 $8.388608000e+06, v4;
	_ =	sdelay $0x1  }
0x170: {  	v4 =	vtrunc.f32 v4  }
0x171: {  	v4 =	vcvt.f32.s32 v4;
	_ =	sdelay $0x1  }
0x172: {  	v5 =	vand.u32 $0xFFF, v4  }
0x173: {  	(xrf1) =	vunique.msk.u32 $0xffff, v5;
	_ =	sdelay $0x1  }
0x174: {  	v6 =	vld [tilespmem:s26+$0xFFFFFFF0];
	_ =	sdelay $0x4  }
0x175: {  	v6 =	vmul.f32 $8.388608000e+06, v6;
	_ =	sdelay $0x1  }
0x176: {  	v6 =	vtrunc.f32 v6  }
0x177: {  	v6 =	vcvt.f32.s32 v6;
	v7 =	vld.idx.msk [tilespmem:v5+s14+$0x0], $0xffff;
	_ =	sdelay $0x1  }
0x178: {  	v60 =	vand.u32 $0xFFF, v6  }
0x179: {  	(xrf1) =	vunique.msk.u32 $0xffff, v60  }
0x17a: {  	_, v61, vm14 =	vpop (xrf1)  }
0x17b: {  	v7 =	vadd.s32 v7, v61  }
0x17c: {  	v9 =	vadd.s32 $0xFFFFFFFF, v7  }
0x17d: {  	v4 =	vshll.u32 v4, $0x3  }
0x17e: {  	s28 =	sadd.s32 $0xFFFFFFF0, s25;
	v4 =	vand.u32 $0xFFFF8000, v4  }
0x17f: {  	v4 =	vor.u32 s28, v4  }
0x180: {  	v4 =	vor.u32 v0, v4  }
0x181: {  	[tilespmem:v9+s16+$0x0] =	vst.idx.msk $0xffff, v4  }
0x182: {  	[tilespmem:v5+s14+$0x0] =	vst.idx.msk vm14, v7  }
0x183: {  	v4 =	vld.idx.msk [tilespmem:v60+s15+$0x0], $0xffff;
	_ =	sdelay $0x3  }
0x184: {  	_, v5, vm0 =	vpop (xrf1)  }
0x185: {  	v4 =	vadd.s32 v4, v5  }
0x186: {  	v5 =	vadd.s32 $0xFFFFFFFF, v4  }
0x187: {  	v6 =	vshll.u32 v6, $0x3  }
0x188: {  	v6 =	vand.u32 $0xFFFF8000, v6  }
0x189: {  	v6 =	vor.u32 s28, v6  }
0x18a: {  	v6 =	vor.u32 v2, v6  }
0x18b: {  	[tilespmem:v5+s16+$0x0] =	vst.idx.msk $0xffff, v6  }
0x18c: {  	[tilespmem:v60+s15+$0x0] =	vst.idx.msk vm0, v4  }
0x18d: {  	v4 =	vld [tilespmem:s26+$0xFFFFC000];
	_ =	sdelay $0x4  }
0x18e: {  	v4 =	vmul.f32 $8.388608000e+06, v4;
	_ =	sdelay $0x1  }
0x18f: {  	v4 =	vtrunc.f32 v4  }
0x190: {  	v4 =	vcvt.f32.s32 v4;
	_ =	sdelay $0x1  }
0x191: {  	v5 =	vand.u32 $0xFFF, v4  }
0x192: {  	(xrf1) =	vunique.msk.u32 $0xffff, v5;
	_ =	sdelay $0x1  }
0x193: {  	v6 =	vld [tilespmem:s26+$0x0];
	_ =	sdelay $0x4  }
0x194: {  	v6 =	vmul.f32 $8.388608000e+06, v6;
	_ =	sdelay $0x1  }
0x195: {  	v6 =	vtrunc.f32 v6  }
0x196: {  	v6 =	vcvt.f32.s32 v6;
	v7 =	vld.idx.msk [tilespmem:v5+s14+$0x0], $0xffff;
	_ =	sdelay $0x1  }
0x197: {  	v62 =	vand.u32 $0xFFF, v6  }
0x198: {  	(xrf1) =	vunique.msk.u32 $0xffff, v62  }
0x199: {  	_, v63, vm15 =	vpop (xrf1)  }
0x19a: {  	v7 =	vadd.s32 v7, v63  }
0x19b: {  	v9 =	vadd.s32 $0xFFFFFFFF, v7  }
0x19c: {  	v4 =	vshll.u32 v4, $0x3  }
0x19d: {  	v4 =	vand.u32 $0xFFFF8000, v4  }
0x19e: {  	v4 =	vor.u32 s25, v4  }
0x19f: {  	v4 =	vor.u32 v0, v4  }
0x1a0: {  	[tilespmem:v9+s16+$0x0] =	vst.idx.msk $0xffff, v4  }
0x1a1: {  	[tilespmem:v5+s14+$0x0] =	vst.idx.msk vm15, v7  }
0x1a2: {  	v4 =	vld.idx.msk [tilespmem:v62+s15+$0x0], $0xffff;
	_ =	sdelay $0x3  }
0x1a3: {  	_, v5, vm0 =	vpop (xrf1)  }
0x1a4: {  	v4 =	vadd.s32 v4, v5  }
0x1a5: {  	s24 =	sadd.s32 $0x8, s24;
	v5 =	vadd.s32 $0xFFFFFFFF, v4  }
0x1a6: {  	p1 =	slt.u32 s24, $0x3F8;
	v6 =	vshll.u32 v6, $0x3  }
.Ltmp4:
0x1a7: {  	v6 =	vand.u32 $0xFFFF8000, v6;
	(pc) =	sbr.rel @p1 .LBB2_11-.Ltmp4, $4  }
0x1a8: {  	v6 =	vor.u32 s25, v6  }
0x1a9: {  	v6 =	vor.u32 v2, v6  }
0x1aa: {  	s29 =	simm.s32 $0xFFFFFFFC;
	s30 =	simm.s32 $0xC030;
	[tilespmem:v5+s16+$0x0] =	vst.idx.msk $0xffff, v6  }
0x1ab: {  	s28 =	simm.s32 $0x0;
	s26 =	sadd.s32 $0x80, s26;
	s25 =	sadd.s32 $0x80, s25;
	[tilespmem:v62+s15+$0x0] =	vst.idx.msk vm0, v4  }
0x1ac: {  	s24 =	simm.s32 $0x0  }
.LBB2_13:
0x1ad: {  	v4 =	vld [tilespmem:s30+$0xFFFFBFD0];
	s25 =	sand.u32 $0x3FC0, s24  }
0x1ae: {  	v5 =	vld [tilespmem:s25+$0xC000];
	_ =	sdelay $0x3  }
0x1af: {  	v4 =	vshra.s32 v4, $0xF  }
0x1b0: {  	v5 =	vshra.s32 v5, $0xF;
	(xrf1) =	vunique.msk.u32 $0xffff, v4  }
0x1b1: {  	(xrf1) =	vunique.msk.u32 $0xffff, v5;
	_ =	sdelay $0xc  }
0x1b2: {  	_, v6, vm0 =	vpop (xrf1)  }
0x1b3: {  	_, v7, vm1 =	vpop (xrf1);
	_ =	sdelay $0x4  }
0x1b4: {  	[tilespmem:v4+s17+$0x0] =	vst.idx.add.s32.msk vm0, v6  }
0x1b5: {  	[tilespmem:v5+s18+$0x0] =	vst.idx.add.s32.msk vm1, v7  }
0x1b6: {  	v4 =	vld [tilespmem:s30+$0xFFFFBFE0]  }
0x1b7: {  	v5 =	vld [tilespmem:s30+$0xFFFFFFE0];
	_ =	sdelay $0x3  }
0x1b8: {  	v4 =	vshra.s32 v4, $0xF  }
0x1b9: {  	v5 =	vshra.s32 v5, $0xF;
	(xrf1) =	vunique.msk.u32 $0xffff, v4  }
0x1ba: {  	(xrf1) =	vunique.msk.u32 $0xffff, v5;
	_ =	sdelay $0xc  }
0x1bb: {  	_, v6, vm0 =	vpop (xrf1)  }
0x1bc: {  	_, v7, vm1 =	vpop (xrf1);
	_ =	sdelay $0x4  }
0x1bd: {  	[tilespmem:v4+s17+$0x0] =	vst.idx.add.s32.msk vm0, v6  }
0x1be: {  	[tilespmem:v5+s18+$0x0] =	vst.idx.add.s32.msk vm1, v7  }
0x1bf: {  	v4 =	vld [tilespmem:s30+$0xFFFFBFF0]  }
0x1c0: {  	v5 =	vld [tilespmem:s30+$0xFFFFFFF0];
	_ =	sdelay $0x3  }
0x1c1: {  	v4 =	vshra.s32 v4, $0xF  }
0x1c2: {  	v5 =	vshra.s32 v5, $0xF;
	(xrf1) =	vunique.msk.u32 $0xffff, v4  }
0x1c3: {  	(xrf1) =	vunique.msk.u32 $0xffff, v5;
	_ =	sdelay $0xc  }
0x1c4: {  	_, v6, vm0 =	vpop (xrf1)  }
0x1c5: {  	_, v7, vm1 =	vpop (xrf1);
	_ =	sdelay $0x4  }
0x1c6: {  	[tilespmem:v4+s17+$0x0] =	vst.idx.add.s32.msk vm0, v6  }
0x1c7: {  	[tilespmem:v5+s18+$0x0] =	vst.idx.add.s32.msk vm1, v7  }
0x1c8: {  	v4 =	vld [tilespmem:s30+$0xFFFFC000]  }
0x1c9: {  	v5 =	vld [tilespmem:s30+$0x0];
	_ =	sdelay $0x3  }
0x1ca: {  	v4 =	vshra.s32 v4, $0xF  }
0x1cb: {  	v5 =	vshra.s32 v5, $0xF;
	(xrf1) =	vunique.msk.u32 $0xffff, v4  }
0x1cc: {  	(xrf1) =	vunique.msk.u32 $0xffff, v5;
	_ =	sdelay $0xc  }
0x1cd: {  	_, v6, vm0 =	vpop (xrf1)  }
0x1ce: {  	s29 =	sadd.s32 $0x4, s29;
	_, v7, vm1 =	vpop (xrf1)  }
0x1cf: {  	p1 =	slt.u32 s29, $0x3FC  }
.Ltmp5:
0x1d0: {  	_ = 	snop;
	(pc) =	sbr.rel @p1 .LBB2_13-.Ltmp5, $3  }
0x1d1: {  	_ =	sdelay $0x1  }
0x1d2: {  	[tilespmem:v4+s17+$0x0] =	vst.idx.add.s32.msk vm0, v6  }
0x1d3: {  	s24 =	sadd.s32 $0x40, s24;
	s30 =	sadd.s32 $0x40, s30;
	[tilespmem:v5+s18+$0x0] =	vst.idx.add.s32.msk vm1, v7  }
0x1d4: {  	s25 =	simm.s32 $0x0  }
0x1d5: {  	v4 =	vld [tilespmem:s25+$0x1E000]  }
0x1d6: {  	v5 =	vld [tilespmem:s25+$0x1E800];
	_ =	sdelay $0x4  }
0x1d7: {  	v5 =	vadd.s32 v4, v5  }
0x1d8: {  	(xrf0) =	vadd.scan.msk.s32 $0xffff, v5;
	_ =	sdelay $0x5  }
0x1d9: {  	v6, _, _ =	vpop (xrf0)  }
0x1da: {  	v5 =	vsub.s32 v6, v5;
	(v2sf) =	vpush v6, $0xF  }
0x1db: {  	v5 =	vadd.s32 s28, v5  }
0x1dc: {  	s24 =	simm.s32 $0x10;
	[tilespmem:s25+$0x1E000] =	vst v5;
	v5 =	vadd.s32 v4, v5  }
0x1dd: {  	v4 =	vld [tilespmem:s24+$0x1E000];
	[tilespmem:s25+$0x1E800] =	vst v5  }
0x1de: {  	v5 =	vld [tilespmem:s24+$0x1E800];
	_ =	sdelay $0x4  }
0x1df: {  	v5 =	vadd.s32 v4, v5  }
0x1e0: {  	s25 =	simm.s32 $0x80;
	(xrf0) =	vadd.scan.msk.s32 $0xffff, v5  }
.LBB2_15:
0x1e1: {  	_ =	sdelay $0x2  }
0x1e2: {  	p1 =	sne.s32 s25, $0x1FC0  }
0x1e3: {  	s29 =	smov.u32 s25;
	s25 =	sadd.s32 $0x40, s25;
	s26 =	spop (v2sf)  }
0x1e4: {  	v6, _, _ =	vpop (xrf0);
	s28 =	sadd.s32 s28, s26  }
0x1e5: {  	v5 =	vsub.s32 v6, v5;
	(v2sf) =	vpush v6, $0xF  }
0x1e6: {  	v5 =	vadd.s32 s28, v5  }
0x1e7: {  	s26 =	sshra.s32 s29, $0x2;
	[tilespmem:s24+$0x1E000] =	vst v5;
	v5 =	vadd.s32 v4, v5  }
0x1e8: {  	v4 =	vld [tilespmem:s26+$0x1E000];
	[tilespmem:s24+$0x1E800] =	vst v5;
	s24 =	smov.u32 s26  }
0x1e9: {  	v5 =	vld [tilespmem:s24+$0x1E800];
	_ =	sdelay $0x1  }
.Ltmp6:
0x1ea: {  	(pc) =	sbr.rel @p1 .LBB2_15-.Ltmp6, $3  }
0x1eb: {  	_ =	sdelay $0x1  }
0x1ec: {  	v5 =	vadd.s32 v4, v5  }
0x1ed: {  	(xrf0) =	vadd.scan.msk.s32 $0xffff, v5  }
0x1ee: {  	_ =	sdelay $0x4  }
0x1ef: {  	v6, _, _ =	vpop (xrf0)  }
0x1f0: {  	(v2sf) =	vpush v6, $0xF;
	_ =	sdelay $0xa  }
0x1f1: {  	s25 =	spop (v2sf)  }
0x1f2: {  	s25 =	sadd.s32 s28, s25;
	v5 =	vsub.s32 v6, v5  }
0x1f3: {  	v5 =	vadd.s32 s25, v5  }
0x1f4: {  	[tilespmem:s24+$0x1E000] =	vst v5;
	v4 =	vadd.s32 v4, v5  }
0x1f5: {  	s25 =	simm.s32 $0x8000;
	[tilespmem:s24+$0x1E800] =	vst v4;
	s24 =	simm.s32 $0xFFFFFFF8;
	s31 =	spop (v2sf)  }
.LBB2_17:
0x1f6: {  	v4 =	vld [tilespmem:s25+$0x0];
	_ =	sdelay $0x4  }
0x1f7: {  	v5 =	vshra.s32 v4, $0xF  }
0x1f8: {  	(xrf1) =	vunique.msk.u32 $0xffff, v5;
	_ =	sdelay $0x9  }
0x1f9: {  	v6 =	vld.idx.msk [tilespmem:v5+s17+$0x0], $0xffff;
	_ =	sdelay $0x3  }
0x1fa: {  	_, v7, vm0 =	vpop (xrf1)  }
0x1fb: {  	v6 =	vadd.s32 v6, v7  }
0x1fc: {  	v7 =	vadd.s32 $0xFFFFFFFF, v6  }
0x1fd: {  	v4 =	vand.u32 $0x7FFF, v4;
	vm1 =	vlt.s32 v7, $0x4000;
	_ =	sdelay $0x4  }
0x1fe: {  	[tilespmem:v4+s19+$0x0] =	vst.idx.msk $0xffff, v7;
	vm2 =	vgt.s32 v7, $0x3FFF  }
0x1ff: {  	v33 =	vsel vm2, $0x3F800000, v3;
	[tilespmem:v7+s20+$0x0] =	vst.idx.msk vm1, v4  }
0x200: {  	[tilespmem:v4+s6+$0x0] =	vst.idx.msk $0xffff, v33  }
0x201: {  	[tilespmem:v5+s17+$0x0] =	vst.idx.msk vm0, v6  }
0x202: {  	v4 =	vld [tilespmem:s25+$0x4000];
	_ =	sdelay $0x4  }
0x203: {  	v5 =	vshra.s32 v4, $0xF  }
0x204: {  	(xrf1) =	vunique.msk.u32 $0xffff, v5;
	_ =	sdelay $0x9  }
0x205: {  	v6 =	vld.idx.msk [tilespmem:v5+s18+$0x0], $0xffff;
	_ =	sdelay $0x3  }
0x206: {  	_, v34, vm7 =	vpop (xrf1)  }
0x207: {  	v6 =	vadd.s32 v6, v34  }
0x208: {  	v7 =	vadd.s32 $0xFFFFFFFF, v6  }
0x209: {  	v4 =	vand.u32 $0x7FFF, v4;
	vm8 =	vlt.s32 v7, $0x4000;
	_ =	sdelay $0x4  }
0x20a: {  	[tilespmem:v4+s19+$0x0] =	vst.idx.msk $0xffff, v7;
	vm9 =	vgt.s32 v7, $0x3FFF  }
0x20b: {  	v35 =	vsel vm9, $0x3F800000, v3;
	[tilespmem:v7+s20+$0x0] =	vst.idx.msk vm8, v4  }
0x20c: {  	[tilespmem:v4+s6+$0x0] =	vst.idx.msk $0xffff, v35  }
0x20d: {  	[tilespmem:v5+s18+$0x0] =	vst.idx.msk vm7, v6  }
0x20e: {  	v4 =	vld [tilespmem:s25+$0x10];
	_ =	sdelay $0x4  }
0x20f: {  	v5 =	vshra.s32 v4, $0xF  }
0x210: {  	(xrf1) =	vunique.msk.u32 $0xffff, v5;
	_ =	sdelay $0x9  }
0x211: {  	v6 =	vld.idx.msk [tilespmem:v5+s17+$0x0], $0xffff;
	_ =	sdelay $0x3  }
0x212: {  	_, v36, vm10 =	vpop (xrf1)  }
0x213: {  	v6 =	vadd.s32 v6, v36  }
0x214: {  	v7 =	vadd.s32 $0xFFFFFFFF, v6  }
0x215: {  	v4 =	vand.u32 $0x7FFF, v4;
	vm11 =	vlt.s32 v7, $0x4000;
	_ =	sdelay $0x4  }
0x216: {  	[tilespmem:v4+s19+$0x0] =	vst.idx.msk $0xffff, v7;
	vm12 =	vgt.s32 v7, $0x3FFF  }
0x217: {  	v37 =	vsel vm12, $0x3F800000, v3;
	[tilespmem:v7+s20+$0x0] =	vst.idx.msk vm11, v4  }
0x218: {  	[tilespmem:v4+s6+$0x0] =	vst.idx.msk $0xffff, v37  }
0x219: {  	[tilespmem:v5+s17+$0x0] =	vst.idx.msk vm10, v6  }
0x21a: {  	v4 =	vld [tilespmem:s25+$0x4010];
	_ =	sdelay $0x4  }
0x21b: {  	v5 =	vshra.s32 v4, $0xF  }
0x21c: {  	(xrf1) =	vunique.msk.u32 $0xffff, v5;
	_ =	sdelay $0x9  }
0x21d: {  	v6 =	vld.idx.msk [tilespmem:v5+s18+$0x0], $0xffff;
	_ =	sdelay $0x3  }
0x21e: {  	_, v38, vm13 =	vpop (xrf1)  }
0x21f: {  	v6 =	vadd.s32 v6, v38  }
0x220: {  	v7 =	vadd.s32 $0xFFFFFFFF, v6  }
0x221: {  	v4 =	vand.u32 $0x7FFF, v4;
	vm14 =	vlt.s32 v7, $0x4000;
	_ =	sdelay $0x4  }
0x222: {  	[tilespmem:v4+s19+$0x0] =	vst.idx.msk $0xffff, v7;
	vm15 =	vgt.s32 v7, $0x3FFF  }
0x223: {  	v39 =	vsel vm15, $0x3F800000, v3;
	[tilespmem:v7+s20+$0x0] =	vst.idx.msk vm14, v4  }
0x224: {  	[tilespmem:v4+s6+$0x0] =	vst.idx.msk $0xffff, v39  }
0x225: {  	[tilespmem:v5+s18+$0x0] =	vst.idx.msk vm13, v6  }
0x226: {  	v4 =	vld [tilespmem:s25+$0x20];
	_ =	sdelay $0x4  }
0x227: {  	v5 =	vshra.s32 v4, $0xF  }
0x228: {  	(xrf1) =	vunique.msk.u32 $0xffff, v5;
	_ =	sdelay $0x9  }
0x229: {  	v6 =	vld.idx.msk [tilespmem:v5+s17+$0x0], $0xffff;
	_ =	sdelay $0x3  }
0x22a: {  	_, v40, vm4 =	vpop (xrf1)  }
0x22b: {  	v6 =	vadd.s32 v6, v40  }
0x22c: {  	v7 =	vadd.s32 $0xFFFFFFFF, v6  }
0x22d: {  	v4 =	vand.u32 $0x7FFF, v4;
	vm5 =	vlt.s32 v7, $0x4000;
	_ =	sdelay $0x4  }
0x22e: {  	[tilespmem:v4+s19+$0x0] =	vst.idx.msk $0xffff, v7;
	vm6 =	vgt.s32 v7, $0x3FFF  }
0x22f: {  	v41 =	vsel vm6, $0x3F800000, v3;
	[tilespmem:v7+s20+$0x0] =	vst.idx.msk vm5, v4  }
0x230: {  	[tilespmem:v4+s6+$0x0] =	vst.idx.msk $0xffff, v41  }
0x231: {  	[tilespmem:v5+s17+$0x0] =	vst.idx.msk vm4, v6  }
0x232: {  	v4 =	vld [tilespmem:s25+$0x4020];
	_ =	sdelay $0x4  }
0x233: {  	v5 =	vshra.s32 v4, $0xF  }
0x234: {  	(xrf1) =	vunique.msk.u32 $0xffff, v5;
	_ =	sdelay $0x9  }
0x235: {  	v6 =	vld.idx.msk [tilespmem:v5+s18+$0x0], $0xffff;
	_ =	sdelay $0x3  }
0x236: {  	_, v42, vm7 =	vpop (xrf1)  }
0x237: {  	v6 =	vadd.s32 v6, v42  }
0x238: {  	v7 =	vadd.s32 $0xFFFFFFFF, v6  }
0x239: {  	v4 =	vand.u32 $0x7FFF, v4;
	vm8 =	vlt.s32 v7, $0x4000;
	_ =	sdelay $0x4  }
0x23a: {  	[tilespmem:v4+s19+$0x0] =	vst.idx.msk $0xffff, v7;
	vm9 =	vgt.s32 v7, $0x3FFF  }
0x23b: {  	v43 =	vsel vm9, $0x3F800000, v3;
	[tilespmem:v7+s20+$0x0] =	vst.idx.msk vm8, v4  }
0x23c: {  	[tilespmem:v4+s6+$0x0] =	vst.idx.msk $0xffff, v43  }
0x23d: {  	[tilespmem:v5+s18+$0x0] =	vst.idx.msk vm7, v6  }
0x23e: {  	v4 =	vld [tilespmem:s25+$0x30];
	_ =	sdelay $0x4  }
0x23f: {  	v5 =	vshra.s32 v4, $0xF  }
0x240: {  	(xrf1) =	vunique.msk.u32 $0xffff, v5;
	_ =	sdelay $0x9  }
0x241: {  	v6 =	vld.idx.msk [tilespmem:v5+s17+$0x0], $0xffff;
	_ =	sdelay $0x3  }
0x242: {  	_, v44, vm10 =	vpop (xrf1)  }
0x243: {  	v6 =	vadd.s32 v6, v44  }
0x244: {  	v7 =	vadd.s32 $0xFFFFFFFF, v6  }
0x245: {  	v4 =	vand.u32 $0x7FFF, v4;
	vm11 =	vlt.s32 v7, $0x4000;
	_ =	sdelay $0x4  }
0x246: {  	[tilespmem:v4+s19+$0x0] =	vst.idx.msk $0xffff, v7;
	vm12 =	vgt.s32 v7, $0x3FFF  }
0x247: {  	v45 =	vsel vm12, $0x3F800000, v3;
	[tilespmem:v7+s20+$0x0] =	vst.idx.msk vm11, v4  }
0x248: {  	[tilespmem:v4+s6+$0x0] =	vst.idx.msk $0xffff, v45  }
0x249: {  	[tilespmem:v5+s17+$0x0] =	vst.idx.msk vm10, v6  }
0x24a: {  	v4 =	vld [tilespmem:s25+$0x4030];
	_ =	sdelay $0x4  }
0x24b: {  	v5 =	vshra.s32 v4, $0xF  }
0x24c: {  	(xrf1) =	vunique.msk.u32 $0xffff, v5;
	_ =	sdelay $0x9  }
0x24d: {  	v6 =	vld.idx.msk [tilespmem:v5+s18+$0x0], $0xffff;
	_ =	sdelay $0x3  }
0x24e: {  	_, v46, vm13 =	vpop (xrf1)  }
0x24f: {  	v6 =	vadd.s32 v6, v46  }
0x250: {  	v7 =	vadd.s32 $0xFFFFFFFF, v6  }
0x251: {  	v4 =	vand.u32 $0x7FFF, v4;
	vm14 =	vlt.s32 v7, $0x4000;
	_ =	sdelay $0x4  }
0x252: {  	[tilespmem:v4+s19+$0x0] =	vst.idx.msk $0xffff, v7;
	vm15 =	vgt.s32 v7, $0x3FFF  }
0x253: {  	v47 =	vsel vm15, $0x3F800000, v3;
	[tilespmem:v7+s20+$0x0] =	vst.idx.msk vm14, v4  }
0x254: {  	[tilespmem:v4+s6+$0x0] =	vst.idx.msk $0xffff, v47  }
0x255: {  	[tilespmem:v5+s18+$0x0] =	vst.idx.msk vm13, v6  }
0x256: {  	v4 =	vld [tilespmem:s25+$0x40];
	_ =	sdelay $0x4  }
0x257: {  	v5 =	vshra.s32 v4, $0xF  }
0x258: {  	(xrf1) =	vunique.msk.u32 $0xffff, v5;
	_ =	sdelay $0x9  }
0x259: {  	v6 =	vld.idx.msk [tilespmem:v5+s17+$0x0], $0xffff;
	_ =	sdelay $0x3  }
0x25a: {  	_, v48, vm4 =	vpop (xrf1)  }
0x25b: {  	v6 =	vadd.s32 v6, v48  }
0x25c: {  	v7 =	vadd.s32 $0xFFFFFFFF, v6  }
0x25d: {  	v4 =	vand.u32 $0x7FFF, v4;
	vm5 =	vlt.s32 v7, $0x4000;
	_ =	sdelay $0x4  }
0x25e: {  	[tilespmem:v4+s19+$0x0] =	vst.idx.msk $0xffff, v7;
	vm6 =	vgt.s32 v7, $0x3FFF  }
0x25f: {  	v49 =	vsel vm6, $0x3F800000, v3;
	[tilespmem:v7+s20+$0x0] =	vst.idx.msk vm5, v4  }
0x260: {  	[tilespmem:v4+s6+$0x0] =	vst.idx.msk $0xffff, v49  }
0x261: {  	[tilespmem:v5+s17+$0x0] =	vst.idx.msk vm4, v6  }
0x262: {  	v4 =	vld [tilespmem:s25+$0x4040];
	_ =	sdelay $0x4  }
0x263: {  	v5 =	vshra.s32 v4, $0xF  }
0x264: {  	(xrf1) =	vunique.msk.u32 $0xffff, v5;
	_ =	sdelay $0x9  }
0x265: {  	v6 =	vld.idx.msk [tilespmem:v5+s18+$0x0], $0xffff;
	_ =	sdelay $0x3  }
0x266: {  	_, v50, vm7 =	vpop (xrf1)  }
0x267: {  	v6 =	vadd.s32 v6, v50  }
0x268: {  	v7 =	vadd.s32 $0xFFFFFFFF, v6  }
0x269: {  	v4 =	vand.u32 $0x7FFF, v4;
	vm8 =	vlt.s32 v7, $0x4000;
	_ =	sdelay $0x4  }
0x26a: {  	[tilespmem:v4+s19+$0x0] =	vst.idx.msk $0xffff, v7;
	vm9 =	vgt.s32 v7, $0x3FFF  }
0x26b: {  	v51 =	vsel vm9, $0x3F800000, v3;
	[tilespmem:v7+s20+$0x0] =	vst.idx.msk vm8, v4  }
0x26c: {  	[tilespmem:v4+s6+$0x0] =	vst.idx.msk $0xffff, v51  }
0x26d: {  	[tilespmem:v5+s18+$0x0] =	vst.idx.msk vm7, v6  }
0x26e: {  	v4 =	vld [tilespmem:s25+$0x50];
	_ =	sdelay $0x4  }
0x26f: {  	v5 =	vshra.s32 v4, $0xF  }
0x270: {  	(xrf1) =	vunique.msk.u32 $0xffff, v5;
	_ =	sdelay $0x9  }
0x271: {  	v6 =	vld.idx.msk [tilespmem:v5+s17+$0x0], $0xffff;
	_ =	sdelay $0x3  }
0x272: {  	_, v52, vm10 =	vpop (xrf1)  }
0x273: {  	v6 =	vadd.s32 v6, v52  }
0x274: {  	v7 =	vadd.s32 $0xFFFFFFFF, v6  }
0x275: {  	v4 =	vand.u32 $0x7FFF, v4;
	vm11 =	vlt.s32 v7, $0x4000;
	_ =	sdelay $0x4  }
0x276: {  	[tilespmem:v4+s19+$0x0] =	vst.idx.msk $0xffff, v7;
	vm12 =	vgt.s32 v7, $0x3FFF  }
0x277: {  	v53 =	vsel vm12, $0x3F800000, v3;
	[tilespmem:v7+s20+$0x0] =	vst.idx.msk vm11, v4  }
0x278: {  	[tilespmem:v4+s6+$0x0] =	vst.idx.msk $0xffff, v53  }
0x279: {  	[tilespmem:v5+s17+$0x0] =	vst.idx.msk vm10, v6  }
0x27a: {  	v4 =	vld [tilespmem:s25+$0x4050];
	_ =	sdelay $0x4  }
0x27b: {  	v5 =	vshra.s32 v4, $0xF  }
0x27c: {  	(xrf1) =	vunique.msk.u32 $0xffff, v5;
	_ =	sdelay $0x9  }
0x27d: {  	v6 =	vld.idx.msk [tilespmem:v5+s18+$0x0], $0xffff;
	_ =	sdelay $0x3  }
0x27e: {  	_, v54, vm13 =	vpop (xrf1)  }
0x27f: {  	v6 =	vadd.s32 v6, v54  }
0x280: {  	v7 =	vadd.s32 $0xFFFFFFFF, v6  }
0x281: {  	v4 =	vand.u32 $0x7FFF, v4;
	vm14 =	vlt.s32 v7, $0x4000;
	_ =	sdelay $0x4  }
0x282: {  	[tilespmem:v4+s19+$0x0] =	vst.idx.msk $0xffff, v7;
	vm15 =	vgt.s32 v7, $0x3FFF  }
0x283: {  	v55 =	vsel vm15, $0x3F800000, v3;
	[tilespmem:v7+s20+$0x0] =	vst.idx.msk vm14, v4  }
0x284: {  	[tilespmem:v4+s6+$0x0] =	vst.idx.msk $0xffff, v55  }
0x285: {  	[tilespmem:v5+s18+$0x0] =	vst.idx.msk vm13, v6  }
0x286: {  	v4 =	vld [tilespmem:s25+$0x60];
	_ =	sdelay $0x4  }
0x287: {  	v5 =	vshra.s32 v4, $0xF  }
0x288: {  	(xrf1) =	vunique.msk.u32 $0xffff, v5;
	_ =	sdelay $0x9  }
0x289: {  	v6 =	vld.idx.msk [tilespmem:v5+s17+$0x0], $0xffff;
	_ =	sdelay $0x3  }
0x28a: {  	_, v56, vm4 =	vpop (xrf1)  }
0x28b: {  	v6 =	vadd.s32 v6, v56  }
0x28c: {  	v7 =	vadd.s32 $0xFFFFFFFF, v6  }
0x28d: {  	v4 =	vand.u32 $0x7FFF, v4;
	vm5 =	vlt.s32 v7, $0x4000;
	_ =	sdelay $0x4  }
0x28e: {  	[tilespmem:v4+s19+$0x0] =	vst.idx.msk $0xffff, v7;
	vm6 =	vgt.s32 v7, $0x3FFF  }
0x28f: {  	v57 =	vsel vm6, $0x3F800000, v3;
	[tilespmem:v7+s20+$0x0] =	vst.idx.msk vm5, v4  }
0x290: {  	[tilespmem:v4+s6+$0x0] =	vst.idx.msk $0xffff, v57  }
0x291: {  	[tilespmem:v5+s17+$0x0] =	vst.idx.msk vm4, v6  }
0x292: {  	v4 =	vld [tilespmem:s25+$0x4060];
	_ =	sdelay $0x4  }
0x293: {  	v5 =	vshra.s32 v4, $0xF  }
0x294: {  	(xrf1) =	vunique.msk.u32 $0xffff, v5;
	_ =	sdelay $0x9  }
0x295: {  	v6 =	vld.idx.msk [tilespmem:v5+s18+$0x0], $0xffff;
	_ =	sdelay $0x3  }
0x296: {  	_, v58, vm7 =	vpop (xrf1)  }
0x297: {  	v6 =	vadd.s32 v6, v58  }
0x298: {  	v7 =	vadd.s32 $0xFFFFFFFF, v6  }
0x299: {  	v4 =	vand.u32 $0x7FFF, v4;
	vm8 =	vlt.s32 v7, $0x4000;
	_ =	sdelay $0x4  }
0x29a: {  	[tilespmem:v4+s19+$0x0] =	vst.idx.msk $0xffff, v7;
	vm9 =	vgt.s32 v7, $0x3FFF  }
0x29b: {  	v59 =	vsel vm9, $0x3F800000, v3;
	[tilespmem:v7+s20+$0x0] =	vst.idx.msk vm8, v4  }
0x29c: {  	[tilespmem:v4+s6+$0x0] =	vst.idx.msk $0xffff, v59  }
0x29d: {  	[tilespmem:v5+s18+$0x0] =	vst.idx.msk vm7, v6  }
0x29e: {  	v4 =	vld [tilespmem:s25+$0x70];
	_ =	sdelay $0x4  }
0x29f: {  	v5 =	vshra.s32 v4, $0xF  }
0x2a0: {  	(xrf1) =	vunique.msk.u32 $0xffff, v5;
	_ =	sdelay $0x9  }
0x2a1: {  	v6 =	vld.idx.msk [tilespmem:v5+s17+$0x0], $0xffff;
	_ =	sdelay $0x3  }
0x2a2: {  	_, v60, vm10 =	vpop (xrf1)  }
0x2a3: {  	v6 =	vadd.s32 v6, v60  }
0x2a4: {  	v7 =	vadd.s32 $0xFFFFFFFF, v6  }
0x2a5: {  	v4 =	vand.u32 $0x7FFF, v4;
	vm11 =	vlt.s32 v7, $0x4000;
	_ =	sdelay $0x4  }
0x2a6: {  	[tilespmem:v4+s19+$0x0] =	vst.idx.msk $0xffff, v7;
	vm12 =	vgt.s32 v7, $0x3FFF  }
0x2a7: {  	v61 =	vsel vm12, $0x3F800000, v3;
	[tilespmem:v7+s20+$0x0] =	vst.idx.msk vm11, v4  }
0x2a8: {  	[tilespmem:v4+s6+$0x0] =	vst.idx.msk $0xffff, v61  }
0x2a9: {  	[tilespmem:v5+s17+$0x0] =	vst.idx.msk vm10, v6  }
0x2aa: {  	v4 =	vld [tilespmem:s25+$0x4070];
	_ =	sdelay $0x4  }
0x2ab: {  	v5 =	vshra.s32 v4, $0xF  }
0x2ac: {  	(xrf1) =	vunique.msk.u32 $0xffff, v5;
	_ =	sdelay $0x9  }
0x2ad: {  	v6 =	vld.idx.msk [tilespmem:v5+s18+$0x0], $0xffff;
	_ =	sdelay $0x3  }
0x2ae: {  	_, v62, vm13 =	vpop (xrf1)  }
0x2af: {  	v6 =	vadd.s32 v6, v62  }
0x2b0: {  	v7 =	vadd.s32 $0xFFFFFFFF, v6  }
0x2b1: {  	v4 =	vand.u32 $0x7FFF, v4;
	vm14 =	vlt.s32 v7, $0x4000;
	_ =	sdelay $0x1  }
0x2b2: {  	s24 =	sadd.s32 $0x8, s24  }
0x2b3: {  	p1 =	slt.u32 s24, $0x3F8  }
.Ltmp7:
0x2b4: {  	_ = 	snop;
	(pc) =	sbr.rel @p1 .LBB2_17-.Ltmp7, $4  }
0x2b5: {  	[tilespmem:v4+s19+$0x0] =	vst.idx.msk $0xffff, v7;
	vm15 =	vgt.s32 v7, $0x3FFF  }
0x2b6: {  	v63 =	vsel vm15, $0x3F800000, v3;
	[tilespmem:v7+s20+$0x0] =	vst.idx.msk vm14, v4  }
0x2b7: {  	[tilespmem:v4+s6+$0x0] =	vst.idx.msk $0xffff, v63  }
0x2b8: {  	s25 =	sadd.s32 $0x80, s25;
	[tilespmem:v5+s18+$0x0] =	vst.idx.msk vm13, v6  }
0x2b9: {  	s25 =	sadd.s32 s3, s22;
	s24 =	simm.s32 $0x80  }
0x2ba: {  	[hbm4b:s25+s24] =	stream.strided.scatter [tilespmem:s19], [sflag:$0x1], $0x8000, s12, s24, $0x38;
	[tilespmem:$0x1F000] =	vst v63  }
0x2bb: {  	s23 =	sor.u32 s8, s23;
	_ =	swait.ge [sflag:s13], $0x8000  }
0x2bc: {  	s23 =	sshrl.u32 s23, $0x3;
	[sflag:s13] =	ssyncset.done $0x0  }
0x2bd: {  	s23 =	sadd.s32 s2, s23;
	[sflag:s13] =	ssyncadd.s32 $0xFFFF8000  }
0x2be: {  	[hbm4b:s23+s24] =	stream.strided.scatter [tilespmem:s20], [sflag:$0x1], $0x4000, s12, s24, $0x38;
	[tilespmem:$0x1F000] =	vst v63  }
0x2bf: {  	_ =	swait.ge [sflag:s13], $0x4000  }
0x2c0: {  	[sflag:s13] =	ssyncset.done $0x0  }
.Ltmp8:
0x2c1: {  	s31 =	sadd.s32 s4, s22;
	[sflag:s13] =	ssyncadd.s32 $0xFFFFC000;
	(pc) =	sbr.rel @p0 .LBB2_2-.Ltmp8, $4  }
0x2c2: {  	[hbm4b:s31+s24] =	stream.strided.scatter [tilespmem:s6], [sflag:$0x1], $0x8000, s12, s24, $0x38;
	[tilespmem:$0x1F000] =	vst v63  }
0x2c3: {  	_ =	swait.ge [sflag:s13], $0x8000  }
0x2c4: {  	[sflag:s13] =	ssyncset.done $0x0  }
0x2c5: {  	p1 =	por $0x0, $0x0;
	[sflag:s13] =	ssyncadd.s32 $0xFFFF8000  }
0x2c6: {  	s21 =	sadd.s32 $0x1, s21  }
0x2c7: {  	p0 =	sne.s32 s21, s9  }
.Ltmp9:
0x2c8: {  	_ = 	snop;
	(pc) =	sbr.rel @p0 .LBB2_1-.Ltmp9, $1  }
0x2c9: {  	_ =	sdelay $0x3  }
0x2ca: {  	_ =	sfence.sel $0x180000  }
0x2cb: {  	[bflag:$0x0] =	sbarrier.arrive $0xFFFF  }
0x2cc: {  	p0 =	sne.s32 s5, $0x0;
	_ =	strace $0x90000047  }
0x2cd: {  	s0 =	sadd.s32 @!p0 $0x100000, s0;
	[bflag:$0x2] =	sbarrier.arrive $0xFFFF  }
0x2ce: {  	[sflag:s0] =	ssyncadd.tile.s32 @!p0 $0x1;
	_ =	shalt  }
.Lfunc_end2:
_tile_overlayer_lowered:
.L_overlay_start_2:
0x2cf: {  	(tag) =	ssettag $0x2  }
0x2d0: {  	s0 =	rddreg [dreg:$0x0];
	s2 =	stileid.u32  }
0x2d1: {  	s1 =	rddreg [dreg:$0x1];
	p0 =	sne.s32 s2, $0x0  }
0x2d2: {  	s3 =	rddreg [dreg:$0x2];
	[bflag:$0x3] =	sbarrier.arrive $0xFFFF;
	s2 =	simm.s32 @!p0 $0x1C01  }
0x2d3: {  	[timem:s3], [sflag:s2] =	dma.local @!p0 [hbm:s0], s1  }
0x2d4: {  	s0 =	simm.s32 @!p0 $0x1  }
0x2d5: {  	_ =	swait.ge @!p0 [sflag:s0], s1  }
0x2d6: {  	s1 =	ssub.s32 @!p0 $0x0, s1;
	[sflag:s0] =	ssyncset.done @!p0 $0x0  }
0x2d7: {  	[sflag:s0] =	ssyncadd.s32 @!p0 s1  }
0x2d8: {  	[bflag:$0x3] =	sbarrier.arrive $0xFFFF  }
0x2d9: {  	_ =	shalt  }

</sc_bundles>
